<compile_context>
chip_gen: v7x
topology: tpu7x:2x2x1
jax: 0.10.2.dev20260603
libtpu: 0.0.44.dev20260713+nightly
codegen_flags: <defaults>
</compile_context>

<pallas_src>
import functools

import jax
import jax.numpy as jnp
from jax import lax
from jax.experimental import pallas as pl
from jax.experimental.pallas import tpu as pltpu
from jax.experimental.pallas import tpu_sc as plsc

N_NODES = 10000
NP = 10240
D_IN = 128
HIDDEN = 100
HP = 128
D_OUT = 16
N_EDGES = 320000

NC, NS = 2, 16
NW = NC * NS
E_PER_TILE = N_EDGES // NW
CHUNK = 125
N_CHUNKS = E_PER_TILE // CHUNK
ZROWS = 64
ROWS_PER_TILE = NP // NS


def _sc_aggregate(x, src3, dst3):
    mesh = plsc.VectorSubcoreMesh(core_axis_name="c", subcore_axis_name="s")

    @functools.partial(
        pl.kernel,
        out_type=jax.ShapeDtypeStruct((NC, NP, D_IN), jnp.float32),
        mesh=mesh,
        scratch_types=[
            pltpu.VMEM((N_CHUNKS, CHUNK), jnp.int32),
            pltpu.VMEM((N_CHUNKS, CHUNK), jnp.int32),
            pltpu.VMEM((CHUNK, D_IN), jnp.float32),
            pltpu.VMEM_SHARED((NP, D_IN), jnp.float32),
        ],
    )
    def k(x_hbm, src_hbm, dst_hbm, out_hbm, src_v, dst_v, rows_v, acc_sh):
        c = lax.axis_index("c")
        s = lax.axis_index("s")
        w = c * NS + s

        pltpu.sync_copy(src_hbm.at[w], src_v)
        pltpu.sync_copy(dst_hbm.at[w], dst_v)

        @pl.loop(0, ZROWS)
        def _(i):
            @pl.loop(0, D_IN, step=16)
            def _(j):
                rows_v[i, pl.ds(j, 16)] = jnp.zeros((16,), jnp.float32)

        for z in range(ROWS_PER_TILE // ZROWS):
            pltpu.sync_copy(
                rows_v.at[pl.ds(0, ZROWS)],
                acc_sh.at[pl.ds(s * ROWS_PER_TILE + z * ZROWS, ZROWS)])
        plsc.subcore_barrier()

        @pl.loop(0, N_CHUNKS)
        def _(i):
            pltpu.sync_copy(x_hbm.at[src_v.at[i]], rows_v)
            pltpu.sync_copy(rows_v, acc_sh.at[dst_v.at[i]], add=True)

        plsc.subcore_barrier()
        pltpu.sync_copy(
            acc_sh.at[pl.ds(s * ROWS_PER_TILE, ROWS_PER_TILE)],
            out_hbm.at[c, pl.ds(s * ROWS_PER_TILE, ROWS_PER_TILE)])

    return k(x, src3, dst3)


def _tc_head(parts, wmt_pad, b_pad, w1t_pad, b1_pad, gamma_pad, beta_pad,
             w2t_pad, b2):

    def body(p_ref, wm_ref, b_ref, w1_ref, b1_ref, g_ref, be_ref, w2_ref,
             b2_ref, o_ref):
        agg = p_ref[0, :N_NODES] + p_ref[1, :N_NODES]
        h = lax.dot_general(
            agg, wm_ref[...], (((1,), (0,)), ((), ())),
            precision=lax.Precision.HIGHEST,
            preferred_element_type=jnp.float32) + b_ref[...]
        h = jnp.maximum(h, 0.0)
        h = lax.dot_general(
            h, w1_ref[...], (((1,), (0,)), ((), ())),
            precision=lax.Precision.HIGHEST,
            preferred_element_type=jnp.float32) + b1_ref[...]
        h = jnp.maximum(h, 0.0)
        mean = jnp.mean(h, axis=0, keepdims=True)
        var = jnp.mean((h - mean) ** 2, axis=0, keepdims=True)
        hn = (h - mean) * lax.rsqrt(var + 1e-5) * g_ref[...] + be_ref[...]
        logits = lax.dot_general(
            hn, w2_ref[...], (((1,), (0,)), ((), ())),
            precision=lax.Precision.HIGHEST,
            preferred_element_type=jnp.float32) + b2_ref[...]
        m = jnp.max(logits, axis=1, keepdims=True)
        e = jnp.exp(logits - m)
        o_ref[...] = e / jnp.sum(e, axis=1, keepdims=True)

    return pl.pallas_call(
        body,
        out_shape=jax.ShapeDtypeStruct((N_NODES, D_OUT), jnp.float32),
    )(parts, wmt_pad, b_pad, w1t_pad, b1_pad, gamma_pad, beta_pad, w2t_pad,
      b2)


def kernel(x, edge_index, W_mpnn, b_mpnn, W1, b1, gamma, beta, W2, b2):
    src = edge_index[0].astype(jnp.int32).reshape(NW, N_CHUNKS, CHUNK)
    dst = edge_index[1].astype(jnp.int32).reshape(NW, N_CHUNKS, CHUNK)

    wmt_pad = jnp.zeros((D_IN, HP), jnp.float32).at[:, :HIDDEN].set(W_mpnn.T)
    b_pad = jnp.zeros((1, HP), jnp.float32).at[0, :HIDDEN].set(b_mpnn)
    w1t_pad = jnp.zeros((HP, HP), jnp.float32).at[:HIDDEN, :HIDDEN].set(W1.T)
    b1_pad = jnp.zeros((1, HP), jnp.float32).at[0, :HIDDEN].set(b1)
    gamma_pad = jnp.zeros((1, HP), jnp.float32).at[0, :HIDDEN].set(gamma)
    beta_pad = jnp.zeros((1, HP), jnp.float32).at[0, :HIDDEN].set(beta)
    w2t_pad = jnp.zeros((HP, D_OUT), jnp.float32).at[:HIDDEN, :].set(W2.T)
    b2_row = b2.reshape(1, D_OUT)

    parts = _sc_aggregate(x, src, dst)
    return _tc_head(parts, wmt_pad, b_pad, w1t_pad, b1_pad, gamma_pad,
                    beta_pad, w2t_pad, b2_row)

# --- scband reference (transcript-rebuilt; emitter-appended) ---
"""Pipeline reference for scband-graph-policy-net-50276887167259 (READ-ONLY COPY).

The authoritative reference and input builder live on the scoring server;
editing this copy changes nothing except your own understanding.
"""

import jax, jax.numpy as jnp
import numpy as np

N_NODES = 10000
N_EDGES = 320000
D_IN = 128
HIDDEN = 100
D_OUT = 16


def setup_inputs(seed: int = 0) -> dict:
    key = jax.random.key(seed)
    ks = jax.random.split(key, 8)
    x = jax.random.normal(ks[0], (N_NODES, D_IN), dtype=jnp.float32)
    edge_index = jax.random.randint(ks[1], (2, N_EDGES), 0, N_NODES, dtype=jnp.int64)
    # MPNN linear (aggregate-then-transform message passing)
    W_mpnn = jax.random.normal(ks[2], (HIDDEN, D_IN), dtype=jnp.float32) * (1.0 / np.sqrt(D_IN))
    b_mpnn = jnp.zeros((HIDDEN,), dtype=jnp.float32)
    # fc1 with weight init normal_(std=0.1) per the torch code
    W1 = jax.random.normal(ks[3], (HIDDEN, HIDDEN), dtype=jnp.float32) * 0.1
    b1 = jnp.zeros((HIDDEN,), dtype=jnp.float32)
    # BatchNorm1d affine params
    gamma = jnp.ones((HIDDEN,), dtype=jnp.float32)
    beta = jnp.zeros((HIDDEN,), dtype=jnp.float32)
    # output linear
    W2 = jax.random.normal(ks[4], (D_OUT, HIDDEN), dtype=jnp.float32) * (1.0 / np.sqrt(HIDDEN))
    b2 = jnp.zeros((D_OUT,), dtype=jnp.float32)
    return {"x": x, "edge_index": edge_index, "W_mpnn": W_mpnn, "b_mpnn": b_mpnn,
            "W1": W1, "b1": b1, "gamma": gamma, "beta": beta, "W2": W2, "b2": b2}


def reference(x, edge_index, W_mpnn, b_mpnn, W1, b1, gamma, beta, W2, b2):
    n = x.shape[0]
    src = edge_index[0]
    dst = edge_index[1]
    # MPNN: gather neighbor features along edges, scatter-add into destination nodes,
    # then apply the learned linear transform (sum aggregation).
    msgs = jnp.take(x, src, axis=0)
    agg = jax.ops.segment_sum(msgs, dst, num_segments=n)
    h = agg @ W_mpnn.T + b_mpnn
    h = jax.nn.relu(h)
    # fc1 + relu
    h = jax.nn.relu(h @ W1.T + b1)
    # BatchNorm1d (training mode: batch statistics, biased variance, eps=1e-5)
    mean = jnp.mean(h, axis=0)
    var = jnp.mean((h - mean) ** 2, axis=0)
    h_norm = (h - mean) / jnp.sqrt(var + 1e-5) * gamma + beta
    # output linear + softmax over classes
    logits = h_norm @ W2.T + b2
    return jax.nn.softmax(logits, axis=1)

if __name__ == "__main__":
    import jax
    _d = setup_inputs()
    print(jax.jit(kernel)(*tuple(_d.values())))

</pallas_src>

<mosaic_0001>
#map = affine_map<(d0, d1) -> (0, 0)>
#map1 = affine_map<(d0, d1) -> (0, 0, 0)>
module attributes {stable_mosaic.version = 14 : i64} {
  func.func @k(%arg0: i32, %arg1: i32, %arg2: memref<10000x128xf32, #tpu.memory_space<hbm>>, %arg3: memref<32x80x125xi32, #tpu.memory_space<hbm>>, %arg4: memref<32x80x125xi32, #tpu.memory_space<hbm>>, %arg5: memref<2x10240x128xf32, #tpu.memory_space<hbm>>, %arg6: memref<80x125xi32, #tpu.memory_space<vmem>>, %arg7: memref<80x125xi32, #tpu.memory_space<vmem>>, %arg8: memref<125x128xf32, #tpu.memory_space<vmem>>, %arg9: memref<10240x128xf32, #tpu.memory_space<vmem_shared>>) attributes {dimension_semantics = [#tpu.dimension_semantics<core_parallel>, #tpu.dimension_semantics<subcore_parallel>], iteration_bounds = array<i64: 2, 16>, scalar_prefetch = 0 : i64, scratch_operands = 4 : i64, tpu.core_type = #tpu.core_type<sc_vector_subcore>, window_params = [{transform_indices = #map}, {transform_indices = #map1}, {transform_indices = #map1}, {transform_indices = #map1}]} {
    %mul3A = arith.constant 16 : i32
    %mul3A_0 = arith.muli %arg0, %mul3A : i32
    %add3A = arith.addi %mul3A_0, %arg1 : i32
    "tpu.region"() ({
      %run_scoped3A = tpu.sem_alloc : memref<!tpu.dma_semaphore, #tpu.memory_space<semaphore_mem>>
      %dma_start3A = arith.constant 0 : i32
      %dma_start3A_55 = arith.constant 0 : i32
      %dma_start3A_56 = tpu.memref_slice %arg3[%add3A, %dma_start3A, %dma_start3A_55] : memref<32x80x125xi32, #tpu.memory_space<hbm>> -> memref<1x80x125xi32, #tpu.memory_space<hbm>>
      %dma_start3A_57 = tpu.memref_squeeze %dma_start3A_56 : memref<1x80x125xi32, #tpu.memory_space<hbm>> -> memref<80x125xi32, #tpu.memory_space<hbm>>
      %dma_start3A_58 = arith.constant 0 : i32
      %dma_start3A_59 = arith.constant 0 : i32
      %dma_start3A_60 = tpu.memref_slice %arg3[%add3A, %dma_start3A_58, %dma_start3A_59] : memref<32x80x125xi32, #tpu.memory_space<hbm>> -> memref<1x80x125xi32, #tpu.memory_space<hbm>>
      %dma_start3A_61 = tpu.memref_squeeze %dma_start3A_60 : memref<1x80x125xi32, #tpu.memory_space<hbm>> -> memref<80x125xi32, #tpu.memory_space<hbm>>
      tpu.enqueue_dma source(%dma_start3A_61 : memref<80x125xi32, #tpu.memory_space<hbm>>) target(%arg6 : memref<80x125xi32, #tpu.memory_space<vmem>>) target_semaphore(%run_scoped3A : memref<!tpu.dma_semaphore, #tpu.memory_space<semaphore_mem>>)
      %dma_wait3A = arith.constant 0 : i32
      %dma_wait3A_62 = arith.constant 0 : i32
      %dma_wait3A_63 = tpu.memref_slice %arg3[%add3A, %dma_wait3A, %dma_wait3A_62] : memref<32x80x125xi32, #tpu.memory_space<hbm>> -> memref<1x80x125xi32, #tpu.memory_space<hbm>>
      %dma_wait3A_64 = tpu.memref_squeeze %dma_wait3A_63 : memref<1x80x125xi32, #tpu.memory_space<hbm>> -> memref<80x125xi32, #tpu.memory_space<hbm>>
      %dma_wait3A_65 = arith.constant 0 : i32
      %dma_wait3A_66 = arith.constant 0 : i32
      %dma_wait3A_67 = tpu.memref_slice %arg3[%add3A, %dma_wait3A_65, %dma_wait3A_66] : memref<32x80x125xi32, #tpu.memory_space<hbm>> -> memref<1x80x125xi32, #tpu.memory_space<hbm>>
      %dma_wait3A_68 = tpu.memref_squeeze %dma_wait3A_67 : memref<1x80x125xi32, #tpu.memory_space<hbm>> -> memref<80x125xi32, #tpu.memory_space<hbm>>
      tpu.wait_dma2 semaphore(%run_scoped3A : memref<!tpu.dma_semaphore, #tpu.memory_space<semaphore_mem>>) src(%dma_wait3A_68 : memref<80x125xi32, #tpu.memory_space<hbm>>) dst(%arg6 : memref<80x125xi32, #tpu.memory_space<vmem>>)
      tpu.yield
    }) : () -> ()
    "tpu.region"() ({
      %run_scoped3A = tpu.sem_alloc : memref<!tpu.dma_semaphore, #tpu.memory_space<semaphore_mem>>
      %dma_start3A = arith.constant 0 : i32
      %dma_start3A_55 = arith.constant 0 : i32
      %dma_start3A_56 = tpu.memref_slice %arg4[%add3A, %dma_start3A, %dma_start3A_55] : memref<32x80x125xi32, #tpu.memory_space<hbm>> -> memref<1x80x125xi32, #tpu.memory_space<hbm>>
      %dma_start3A_57 = tpu.memref_squeeze %dma_start3A_56 : memref<1x80x125xi32, #tpu.memory_space<hbm>> -> memref<80x125xi32, #tpu.memory_space<hbm>>
      %dma_start3A_58 = arith.constant 0 : i32
      %dma_start3A_59 = arith.constant 0 : i32
      %dma_start3A_60 = tpu.memref_slice %arg4[%add3A, %dma_start3A_58, %dma_start3A_59] : memref<32x80x125xi32, #tpu.memory_space<hbm>> -> memref<1x80x125xi32, #tpu.memory_space<hbm>>
      %dma_start3A_61 = tpu.memref_squeeze %dma_start3A_60 : memref<1x80x125xi32, #tpu.memory_space<hbm>> -> memref<80x125xi32, #tpu.memory_space<hbm>>
      tpu.enqueue_dma source(%dma_start3A_61 : memref<80x125xi32, #tpu.memory_space<hbm>>) target(%arg7 : memref<80x125xi32, #tpu.memory_space<vmem>>) target_semaphore(%run_scoped3A : memref<!tpu.dma_semaphore, #tpu.memory_space<semaphore_mem>>)
      %dma_wait3A = arith.constant 0 : i32
      %dma_wait3A_62 = arith.constant 0 : i32
      %dma_wait3A_63 = tpu.memref_slice %arg4[%add3A, %dma_wait3A, %dma_wait3A_62] : memref<32x80x125xi32, #tpu.memory_space<hbm>> -> memref<1x80x125xi32, #tpu.memory_space<hbm>>
      %dma_wait3A_64 = tpu.memref_squeeze %dma_wait3A_63 : memref<1x80x125xi32, #tpu.memory_space<hbm>> -> memref<80x125xi32, #tpu.memory_space<hbm>>
      %dma_wait3A_65 = arith.constant 0 : i32
      %dma_wait3A_66 = arith.constant 0 : i32
      %dma_wait3A_67 = tpu.memref_slice %arg4[%add3A, %dma_wait3A_65, %dma_wait3A_66] : memref<32x80x125xi32, #tpu.memory_space<hbm>> -> memref<1x80x125xi32, #tpu.memory_space<hbm>>
      %dma_wait3A_68 = tpu.memref_squeeze %dma_wait3A_67 : memref<1x80x125xi32, #tpu.memory_space<hbm>> -> memref<80x125xi32, #tpu.memory_space<hbm>>
      tpu.wait_dma2 semaphore(%run_scoped3A : memref<!tpu.dma_semaphore, #tpu.memory_space<semaphore_mem>>) src(%dma_wait3A_68 : memref<80x125xi32, #tpu.memory_space<hbm>>) dst(%arg7 : memref<80x125xi32, #tpu.memory_space<vmem>>)
      tpu.yield
    }) : () -> ()
    %scan3A = arith.constant 0 : i32
    %scan3A_1 = arith.constant 64 : i32
    %scan3A_2 = arith.addi %scan3A, %scan3A_1 : i32
    %scan3A_3 = arith.constant 1 : i32
    scf.for %scan3A_55 = %scan3A to %scan3A_2 step %scan3A_3  : i32 {
      %mul3A_56 = arith.constant 1 : i32
      %mul3A_57 = arith.muli %scan3A_55, %mul3A_56 : i32
      %add3A_58 = arith.constant 0 : i32
      %add3A_59 = arith.addi %add3A_58, %mul3A_57 : i32
      %scan3A_60 = arith.constant 0 : i32
      %scan3A_61 = arith.constant 8 : i32
      %scan3A_62 = arith.addi %scan3A_60, %scan3A_61 : i32
      %scan3A_63 = arith.constant 1 : i32
      scf.for %scan3A_65 = %scan3A_60 to %scan3A_62 step %scan3A_63  : i32 {
        %mul3A_66 = arith.constant 16 : i32
        %mul3A_67 = arith.muli %scan3A_65, %mul3A_66 : i32
        %add3A_68 = arith.constant 0 : i32
        %add3A_69 = arith.addi %add3A_68, %mul3A_67 : i32
        %broadcast_in_dim3A = arith.constant 0.000000e+00 : f32
        %broadcast_in_dim3A_70 = vector.broadcast %broadcast_in_dim3A : f32 to vector<16xf32>
        %swap3A = arith.index_cast %add3A_59 : i32 to index
        %swap3A_71 = arith.index_cast %add3A_69 : i32 to index
        %swap3A_72 = tpu.vector_load %arg8[%swap3A, %swap3A_71] {strides = array<i32>} : memref<125x128xf32, #tpu.memory_space<vmem>>, vector<1x16xf32>,
        %swap3A_73 = vector.shape_cast %swap3A_72 : vector<1x16xf32> to vector<16xf32>
        %swap3A_74 = vector.shape_cast %broadcast_in_dim3A_70 : vector<16xf32> to vector<1x16xf32>
        tpu.vector_store %arg8[%swap3A, %swap3A_71], %swap3A_74 {strides = array<i32>} : memref<125x128xf32, #tpu.memory_space<vmem>>, vector<1x16xf32>,
      }
      %scan3A_64 = arith.constant 8 : i32
    }
    %scan3A_4 = arith.constant 64 : i32
    %mul3A_5 = arith.constant 640 : i32
    %mul3A_6 = arith.muli %arg1, %mul3A_5 : i32
    %add3A_7 = arith.constant 0 : i32
    %add3A_8 = arith.addi %mul3A_6, %add3A_7 : i32
    "tpu.region"() ({
      %run_scoped3A = tpu.sem_alloc : memref<!tpu.dma_semaphore, #tpu.memory_space<semaphore_mem>>
      %dma_start3A = arith.constant 0 : i32
      %dma_start3A_55 = arith.constant 0 : i32
      %dma_start3A_56 = tpu.memref_slice %arg8[%dma_start3A, %dma_start3A_55] : memref<125x128xf32, #tpu.memory_space<vmem>> -> memref<64x128xf32, #tpu.memory_space<vmem>>
      %dma_start3A_57 = arith.constant 0 : i32
      %dma_start3A_58 = tpu.memref_slice %arg9[%add3A_8, %dma_start3A_57] : memref<10240x128xf32, #tpu.memory_space<vmem_shared>> -> memref<64x128xf32, #tpu.memory_space<vmem_shared>>
      %dma_start3A_59 = arith.constant 0 : i32
      %dma_start3A_60 = tpu.memref_slice %arg9[%add3A_8, %dma_start3A_59] : memref<10240x128xf32, #tpu.memory_space<vmem_shared>> -> memref<64x128xf32, #tpu.memory_space<vmem_shared>>
      %dma_start3A_61 = arith.constant 0 : i32
      %dma_start3A_62 = arith.constant 0 : i32
      %dma_start3A_63 = tpu.memref_slice %arg8[%dma_start3A_61, %dma_start3A_62] : memref<125x128xf32, #tpu.memory_space<vmem>> -> memref<64x128xf32, #tpu.memory_space<vmem>>
      tpu.enqueue_dma source(%dma_start3A_63 : memref<64x128xf32, #tpu.memory_space<vmem>>) target(%dma_start3A_60 : memref<64x128xf32, #tpu.memory_space<vmem_shared>>) target_semaphore(%run_scoped3A : memref<!tpu.dma_semaphore, #tpu.memory_space<semaphore_mem>>)
      %dma_wait3A = arith.constant 0 : i32
      %dma_wait3A_64 = arith.constant 0 : i32
      %dma_wait3A_65 = tpu.memref_slice %arg8[%dma_wait3A, %dma_wait3A_64] : memref<125x128xf32, #tpu.memory_space<vmem>> -> memref<64x128xf32, #tpu.memory_space<vmem>>
      %dma_wait3A_66 = arith.constant 0 : i32
      %dma_wait3A_67 = tpu.memref_slice %arg9[%add3A_8, %dma_wait3A_66] : memref<10240x128xf32, #tpu.memory_space<vmem_shared>> -> memref<64x128xf32, #tpu.memory_space<vmem_shared>>
      %dma_wait3A_68 = arith.constant 0 : i32
      %dma_wait3A_69 = tpu.memref_slice %arg9[%add3A_8, %dma_wait3A_68] : memref<10240x128xf32, #tpu.memory_space<vmem_shared>> -> memref<64x128xf32, #tpu.memory_space<vmem_shared>>
      %dma_wait3A_70 = arith.constant 0 : i32
      %dma_wait3A_71 = arith.constant 0 : i32
      %dma_wait3A_72 = tpu.memref_slice %arg8[%dma_wait3A_70, %dma_wait3A_71] : memref<125x128xf32, #tpu.memory_space<vmem>> -> memref<64x128xf32, #tpu.memory_space<vmem>>
      tpu.wait_dma2 semaphore(%run_scoped3A : memref<!tpu.dma_semaphore, #tpu.memory_space<semaphore_mem>>) src(%dma_wait3A_72 : memref<64x128xf32, #tpu.memory_space<vmem>>) dst(%dma_wait3A_69 : memref<64x128xf32, #tpu.memory_space<vmem_shared>>)
      tpu.yield
    }) : () -> ()
    %mul3A_9 = arith.constant 640 : i32
    %mul3A_10 = arith.muli %arg1, %mul3A_9 : i32
    %add3A_11 = arith.constant 64 : i32
    %add3A_12 = arith.addi %mul3A_10, %add3A_11 : i32
    "tpu.region"() ({
      %run_scoped3A = tpu.sem_alloc : memref<!tpu.dma_semaphore, #tpu.memory_space<semaphore_mem>>
      %dma_start3A = arith.constant 0 : i32
      %dma_start3A_55 = arith.constant 0 : i32
      %dma_start3A_56 = tpu.memref_slice %arg8[%dma_start3A, %dma_start3A_55] : memref<125x128xf32, #tpu.memory_space<vmem>> -> memref<64x128xf32, #tpu.memory_space<vmem>>
      %dma_start3A_57 = arith.constant 0 : i32
      %dma_start3A_58 = tpu.memref_slice %arg9[%add3A_12, %dma_start3A_57] : memref<10240x128xf32, #tpu.memory_space<vmem_shared>> -> memref<64x128xf32, #tpu.memory_space<vmem_shared>>
      %dma_start3A_59 = arith.constant 0 : i32
      %dma_start3A_60 = tpu.memref_slice %arg9[%add3A_12, %dma_start3A_59] : memref<10240x128xf32, #tpu.memory_space<vmem_shared>> -> memref<64x128xf32, #tpu.memory_space<vmem_shared>>
      %dma_start3A_61 = arith.constant 0 : i32
      %dma_start3A_62 = arith.constant 0 : i32
      %dma_start3A_63 = tpu.memref_slice %arg8[%dma_start3A_61, %dma_start3A_62] : memref<125x128xf32, #tpu.memory_space<vmem>> -> memref<64x128xf32, #tpu.memory_space<vmem>>
      tpu.enqueue_dma source(%dma_start3A_63 : memref<64x128xf32, #tpu.memory_space<vmem>>) target(%dma_start3A_60 : memref<64x128xf32, #tpu.memory_space<vmem_shared>>) target_semaphore(%run_scoped3A : memref<!tpu.dma_semaphore, #tpu.memory_space<semaphore_mem>>)
      %dma_wait3A = arith.constant 0 : i32
      %dma_wait3A_64 = arith.constant 0 : i32
      %dma_wait3A_65 = tpu.memref_slice %arg8[%dma_wait3A, %dma_wait3A_64] : memref<125x128xf32, #tpu.memory_space<vmem>> -> memref<64x128xf32, #tpu.memory_space<vmem>>
      %dma_wait3A_66 = arith.constant 0 : i32
      %dma_wait3A_67 = tpu.memref_slice %arg9[%add3A_12, %dma_wait3A_66] : memref<10240x128xf32, #tpu.memory_space<vmem_shared>> -> memref<64x128xf32, #tpu.memory_space<vmem_shared>>
      %dma_wait3A_68 = arith.constant 0 : i32
      %dma_wait3A_69 = tpu.memref_slice %arg9[%add3A_12, %dma_wait3A_68] : memref<10240x128xf32, #tpu.memory_space<vmem_shared>> -> memref<64x128xf32, #tpu.memory_space<vmem_shared>>
      %dma_wait3A_70 = arith.constant 0 : i32
      %dma_wait3A_71 = arith.constant 0 : i32
      %dma_wait3A_72 = tpu.memref_slice %arg8[%dma_wait3A_70, %dma_wait3A_71] : memref<125x128xf32, #tpu.memory_space<vmem>> -> memref<64x128xf32, #tpu.memory_space<vmem>>
      tpu.wait_dma2 semaphore(%run_scoped3A : memref<!tpu.dma_semaphore, #tpu.memory_space<semaphore_mem>>) src(%dma_wait3A_72 : memref<64x128xf32, #tpu.memory_space<vmem>>) dst(%dma_wait3A_69 : memref<64x128xf32, #tpu.memory_space<vmem_shared>>)
      tpu.yield
    }) : () -> ()
    %mul3A_13 = arith.constant 640 : i32
    %mul3A_14 = arith.muli %arg1, %mul3A_13 : i32
    %add3A_15 = arith.constant 128 : i32
    %add3A_16 = arith.addi %mul3A_14, %add3A_15 : i32
    "tpu.region"() ({
      %run_scoped3A = tpu.sem_alloc : memref<!tpu.dma_semaphore, #tpu.memory_space<semaphore_mem>>
      %dma_start3A = arith.constant 0 : i32
      %dma_start3A_55 = arith.constant 0 : i32
      %dma_start3A_56 = tpu.memref_slice %arg8[%dma_start3A, %dma_start3A_55] : memref<125x128xf32, #tpu.memory_space<vmem>> -> memref<64x128xf32, #tpu.memory_space<vmem>>
      %dma_start3A_57 = arith.constant 0 : i32
      %dma_start3A_58 = tpu.memref_slice %arg9[%add3A_16, %dma_start3A_57] : memref<10240x128xf32, #tpu.memory_space<vmem_shared>> -> memref<64x128xf32, #tpu.memory_space<vmem_shared>>
      %dma_start3A_59 = arith.constant 0 : i32
      %dma_start3A_60 = tpu.memref_slice %arg9[%add3A_16, %dma_start3A_59] : memref<10240x128xf32, #tpu.memory_space<vmem_shared>> -> memref<64x128xf32, #tpu.memory_space<vmem_shared>>
      %dma_start3A_61 = arith.constant 0 : i32
      %dma_start3A_62 = arith.constant 0 : i32
      %dma_start3A_63 = tpu.memref_slice %arg8[%dma_start3A_61, %dma_start3A_62] : memref<125x128xf32, #tpu.memory_space<vmem>> -> memref<64x128xf32, #tpu.memory_space<vmem>>
      tpu.enqueue_dma source(%dma_start3A_63 : memref<64x128xf32, #tpu.memory_space<vmem>>) target(%dma_start3A_60 : memref<64x128xf32, #tpu.memory_space<vmem_shared>>) target_semaphore(%run_scoped3A : memref<!tpu.dma_semaphore, #tpu.memory_space<semaphore_mem>>)
      %dma_wait3A = arith.constant 0 : i32
      %dma_wait3A_64 = arith.constant 0 : i32
      %dma_wait3A_65 = tpu.memref_slice %arg8[%dma_wait3A, %dma_wait3A_64] : memref<125x128xf32, #tpu.memory_space<vmem>> -> memref<64x128xf32, #tpu.memory_space<vmem>>
      %dma_wait3A_66 = arith.constant 0 : i32
      %dma_wait3A_67 = tpu.memref_slice %arg9[%add3A_16, %dma_wait3A_66] : memref<10240x128xf32, #tpu.memory_space<vmem_shared>> -> memref<64x128xf32, #tpu.memory_space<vmem_shared>>
      %dma_wait3A_68 = arith.constant 0 : i32
      %dma_wait3A_69 = tpu.memref_slice %arg9[%add3A_16, %dma_wait3A_68] : memref<10240x128xf32, #tpu.memory_space<vmem_shared>> -> memref<64x128xf32, #tpu.memory_space<vmem_shared>>
      %dma_wait3A_70 = arith.constant 0 : i32
      %dma_wait3A_71 = arith.constant 0 : i32
      %dma_wait3A_72 = tpu.memref_slice %arg8[%dma_wait3A_70, %dma_wait3A_71] : memref<125x128xf32, #tpu.memory_space<vmem>> -> memref<64x128xf32, #tpu.memory_space<vmem>>
      tpu.wait_dma2 semaphore(%run_scoped3A : memref<!tpu.dma_semaphore, #tpu.memory_space<semaphore_mem>>) src(%dma_wait3A_72 : memref<64x128xf32, #tpu.memory_space<vmem>>) dst(%dma_wait3A_69 : memref<64x128xf32, #tpu.memory_space<vmem_shared>>)
      tpu.yield
    }) : () -> ()
    %mul3A_17 = arith.constant 640 : i32
    %mul3A_18 = arith.muli %arg1, %mul3A_17 : i32
    %add3A_19 = arith.constant 192 : i32
    %add3A_20 = arith.addi %mul3A_18, %add3A_19 : i32
    "tpu.region"() ({
      %run_scoped3A = tpu.sem_alloc : memref<!tpu.dma_semaphore, #tpu.memory_space<semaphore_mem>>
      %dma_start3A = arith.constant 0 : i32
      %dma_start3A_55 = arith.constant 0 : i32
      %dma_start3A_56 = tpu.memref_slice %arg8[%dma_start3A, %dma_start3A_55] : memref<125x128xf32, #tpu.memory_space<vmem>> -> memref<64x128xf32, #tpu.memory_space<vmem>>
      %dma_start3A_57 = arith.constant 0 : i32
      %dma_start3A_58 = tpu.memref_slice %arg9[%add3A_20, %dma_start3A_57] : memref<10240x128xf32, #tpu.memory_space<vmem_shared>> -> memref<64x128xf32, #tpu.memory_space<vmem_shared>>
      %dma_start3A_59 = arith.constant 0 : i32
      %dma_start3A_60 = tpu.memref_slice %arg9[%add3A_20, %dma_start3A_59] : memref<10240x128xf32, #tpu.memory_space<vmem_shared>> -> memref<64x128xf32, #tpu.memory_space<vmem_shared>>
      %dma_start3A_61 = arith.constant 0 : i32
      %dma_start3A_62 = arith.constant 0 : i32
      %dma_start3A_63 = tpu.memref_slice %arg8[%dma_start3A_61, %dma_start3A_62] : memref<125x128xf32, #tpu.memory_space<vmem>> -> memref<64x128xf32, #tpu.memory_space<vmem>>
      tpu.enqueue_dma source(%dma_start3A_63 : memref<64x128xf32, #tpu.memory_space<vmem>>) target(%dma_start3A_60 : memref<64x128xf32, #tpu.memory_space<vmem_shared>>) target_semaphore(%run_scoped3A : memref<!tpu.dma_semaphore, #tpu.memory_space<semaphore_mem>>)
      %dma_wait3A = arith.constant 0 : i32
      %dma_wait3A_64 = arith.constant 0 : i32
      %dma_wait3A_65 = tpu.memref_slice %arg8[%dma_wait3A, %dma_wait3A_64] : memref<125x128xf32, #tpu.memory_space<vmem>> -> memref<64x128xf32, #tpu.memory_space<vmem>>
      %dma_wait3A_66 = arith.constant 0 : i32
      %dma_wait3A_67 = tpu.memref_slice %arg9[%add3A_20, %dma_wait3A_66] : memref<10240x128xf32, #tpu.memory_space<vmem_shared>> -> memref<64x128xf32, #tpu.memory_space<vmem_shared>>
      %dma_wait3A_68 = arith.constant 0 : i32
      %dma_wait3A_69 = tpu.memref_slice %arg9[%add3A_20, %dma_wait3A_68] : memref<10240x128xf32, #tpu.memory_space<vmem_shared>> -> memref<64x128xf32, #tpu.memory_space<vmem_shared>>
      %dma_wait3A_70 = arith.constant 0 : i32
      %dma_wait3A_71 = arith.constant 0 : i32
      %dma_wait3A_72 = tpu.memref_slice %arg8[%dma_wait3A_70, %dma_wait3A_71] : memref<125x128xf32, #tpu.memory_space<vmem>> -> memref<64x128xf32, #tpu.memory_space<vmem>>
      tpu.wait_dma2 semaphore(%run_scoped3A : memref<!tpu.dma_semaphore, #tpu.memory_space<semaphore_mem>>) src(%dma_wait3A_72 : memref<64x128xf32, #tpu.memory_space<vmem>>) dst(%dma_wait3A_69 : memref<64x128xf32, #tpu.memory_space<vmem_shared>>)
      tpu.yield
    }) : () -> ()
    %mul3A_21 = arith.constant 640 : i32
    %mul3A_22 = arith.muli %arg1, %mul3A_21 : i32
    %add3A_23 = arith.constant 256 : i32
    %add3A_24 = arith.addi %mul3A_22, %add3A_23 : i32
    "tpu.region"() ({
      %run_scoped3A = tpu.sem_alloc : memref<!tpu.dma_semaphore, #tpu.memory_space<semaphore_mem>>
      %dma_start3A = arith.constant 0 : i32
      %dma_start3A_55 = arith.constant 0 : i32
      %dma_start3A_56 = tpu.memref_slice %arg8[%dma_start3A, %dma_start3A_55] : memref<125x128xf32, #tpu.memory_space<vmem>> -> memref<64x128xf32, #tpu.memory_space<vmem>>
      %dma_start3A_57 = arith.constant 0 : i32
      %dma_start3A_58 = tpu.memref_slice %arg9[%add3A_24, %dma_start3A_57] : memref<10240x128xf32, #tpu.memory_space<vmem_shared>> -> memref<64x128xf32, #tpu.memory_space<vmem_shared>>
      %dma_start3A_59 = arith.constant 0 : i32
      %dma_start3A_60 = tpu.memref_slice %arg9[%add3A_24, %dma_start3A_59] : memref<10240x128xf32, #tpu.memory_space<vmem_shared>> -> memref<64x128xf32, #tpu.memory_space<vmem_shared>>
      %dma_start3A_61 = arith.constant 0 : i32
      %dma_start3A_62 = arith.constant 0 : i32
      %dma_start3A_63 = tpu.memref_slice %arg8[%dma_start3A_61, %dma_start3A_62] : memref<125x128xf32, #tpu.memory_space<vmem>> -> memref<64x128xf32, #tpu.memory_space<vmem>>
      tpu.enqueue_dma source(%dma_start3A_63 : memref<64x128xf32, #tpu.memory_space<vmem>>) target(%dma_start3A_60 : memref<64x128xf32, #tpu.memory_space<vmem_shared>>) target_semaphore(%run_scoped3A : memref<!tpu.dma_semaphore, #tpu.memory_space<semaphore_mem>>)
      %dma_wait3A = arith.constant 0 : i32
      %dma_wait3A_64 = arith.constant 0 : i32
      %dma_wait3A_65 = tpu.memref_slice %arg8[%dma_wait3A, %dma_wait3A_64] : memref<125x128xf32, #tpu.memory_space<vmem>> -> memref<64x128xf32, #tpu.memory_space<vmem>>
      %dma_wait3A_66 = arith.constant 0 : i32
      %dma_wait3A_67 = tpu.memref_slice %arg9[%add3A_24, %dma_wait3A_66] : memref<10240x128xf32, #tpu.memory_space<vmem_shared>> -> memref<64x128xf32, #tpu.memory_space<vmem_shared>>
      %dma_wait3A_68 = arith.constant 0 : i32
      %dma_wait3A_69 = tpu.memref_slice %arg9[%add3A_24, %dma_wait3A_68] : memref<10240x128xf32, #tpu.memory_space<vmem_shared>> -> memref<64x128xf32, #tpu.memory_space<vmem_shared>>
      %dma_wait3A_70 = arith.constant 0 : i32
      %dma_wait3A_71 = arith.constant 0 : i32
      %dma_wait3A_72 = tpu.memref_slice %arg8[%dma_wait3A_70, %dma_wait3A_71] : memref<125x128xf32, #tpu.memory_space<vmem>> -> memref<64x128xf32, #tpu.memory_space<vmem>>
      tpu.wait_dma2 semaphore(%run_scoped3A : memref<!tpu.dma_semaphore, #tpu.memory_space<semaphore_mem>>) src(%dma_wait3A_72 : memref<64x128xf32, #tpu.memory_space<vmem>>) dst(%dma_wait3A_69 : memref<64x128xf32, #tpu.memory_space<vmem_shared>>)
      tpu.yield
    }) : () -> ()
    %mul3A_25 = arith.constant 640 : i32
    %mul3A_26 = arith.muli %arg1, %mul3A_25 : i32
    %add3A_27 = arith.constant 320 : i32
    %add3A_28 = arith.addi %mul3A_26, %add3A_27 : i32
    "tpu.region"() ({
      %run_scoped3A = tpu.sem_alloc : memref<!tpu.dma_semaphore, #tpu.memory_space<semaphore_mem>>
      %dma_start3A = arith.constant 0 : i32
      %dma_start3A_55 = arith.constant 0 : i32
      %dma_start3A_56 = tpu.memref_slice %arg8[%dma_start3A, %dma_start3A_55] : memref<125x128xf32, #tpu.memory_space<vmem>> -> memref<64x128xf32, #tpu.memory_space<vmem>>
      %dma_start3A_57 = arith.constant 0 : i32
      %dma_start3A_58 = tpu.memref_slice %arg9[%add3A_28, %dma_start3A_57] : memref<10240x128xf32, #tpu.memory_space<vmem_shared>> -> memref<64x128xf32, #tpu.memory_space<vmem_shared>>
      %dma_start3A_59 = arith.constant 0 : i32
      %dma_start3A_60 = tpu.memref_slice %arg9[%add3A_28, %dma_start3A_59] : memref<10240x128xf32, #tpu.memory_space<vmem_shared>> -> memref<64x128xf32, #tpu.memory_space<vmem_shared>>
      %dma_start3A_61 = arith.constant 0 : i32
      %dma_start3A_62 = arith.constant 0 : i32
      %dma_start3A_63 = tpu.memref_slice %arg8[%dma_start3A_61, %dma_start3A_62] : memref<125x128xf32, #tpu.memory_space<vmem>> -> memref<64x128xf32, #tpu.memory_space<vmem>>
      tpu.enqueue_dma source(%dma_start3A_63 : memref<64x128xf32, #tpu.memory_space<vmem>>) target(%dma_start3A_60 : memref<64x128xf32, #tpu.memory_space<vmem_shared>>) target_semaphore(%run_scoped3A : memref<!tpu.dma_semaphore, #tpu.memory_space<semaphore_mem>>)
      %dma_wait3A = arith.constant 0 : i32
      %dma_wait3A_64 = arith.constant 0 : i32
      %dma_wait3A_65 = tpu.memref_slice %arg8[%dma_wait3A, %dma_wait3A_64] : memref<125x128xf32, #tpu.memory_space<vmem>> -> memref<64x128xf32, #tpu.memory_space<vmem>>
      %dma_wait3A_66 = arith.constant 0 : i32
      %dma_wait3A_67 = tpu.memref_slice %arg9[%add3A_28, %dma_wait3A_66] : memref<10240x128xf32, #tpu.memory_space<vmem_shared>> -> memref<64x128xf32, #tpu.memory_space<vmem_shared>>
      %dma_wait3A_68 = arith.constant 0 : i32
      %dma_wait3A_69 = tpu.memref_slice %arg9[%add3A_28, %dma_wait3A_68] : memref<10240x128xf32, #tpu.memory_space<vmem_shared>> -> memref<64x128xf32, #tpu.memory_space<vmem_shared>>
      %dma_wait3A_70 = arith.constant 0 : i32
      %dma_wait3A_71 = arith.constant 0 : i32
      %dma_wait3A_72 = tpu.memref_slice %arg8[%dma_wait3A_70, %dma_wait3A_71] : memref<125x128xf32, #tpu.memory_space<vmem>> -> memref<64x128xf32, #tpu.memory_space<vmem>>
      tpu.wait_dma2 semaphore(%run_scoped3A : memref<!tpu.dma_semaphore, #tpu.memory_space<semaphore_mem>>) src(%dma_wait3A_72 : memref<64x128xf32, #tpu.memory_space<vmem>>) dst(%dma_wait3A_69 : memref<64x128xf32, #tpu.memory_space<vmem_shared>>)
      tpu.yield
    }) : () -> ()
    %mul3A_29 = arith.constant 640 : i32
    %mul3A_30 = arith.muli %arg1, %mul3A_29 : i32
    %add3A_31 = arith.constant 384 : i32
    %add3A_32 = arith.addi %mul3A_30, %add3A_31 : i32
    "tpu.region"() ({
      %run_scoped3A = tpu.sem_alloc : memref<!tpu.dma_semaphore, #tpu.memory_space<semaphore_mem>>
      %dma_start3A = arith.constant 0 : i32
      %dma_start3A_55 = arith.constant 0 : i32
      %dma_start3A_56 = tpu.memref_slice %arg8[%dma_start3A, %dma_start3A_55] : memref<125x128xf32, #tpu.memory_space<vmem>> -> memref<64x128xf32, #tpu.memory_space<vmem>>
      %dma_start3A_57 = arith.constant 0 : i32
      %dma_start3A_58 = tpu.memref_slice %arg9[%add3A_32, %dma_start3A_57] : memref<10240x128xf32, #tpu.memory_space<vmem_shared>> -> memref<64x128xf32, #tpu.memory_space<vmem_shared>>
      %dma_start3A_59 = arith.constant 0 : i32
      %dma_start3A_60 = tpu.memref_slice %arg9[%add3A_32, %dma_start3A_59] : memref<10240x128xf32, #tpu.memory_space<vmem_shared>> -> memref<64x128xf32, #tpu.memory_space<vmem_shared>>
      %dma_start3A_61 = arith.constant 0 : i32
      %dma_start3A_62 = arith.constant 0 : i32
      %dma_start3A_63 = tpu.memref_slice %arg8[%dma_start3A_61, %dma_start3A_62] : memref<125x128xf32, #tpu.memory_space<vmem>> -> memref<64x128xf32, #tpu.memory_space<vmem>>
      tpu.enqueue_dma source(%dma_start3A_63 : memref<64x128xf32, #tpu.memory_space<vmem>>) target(%dma_start3A_60 : memref<64x128xf32, #tpu.memory_space<vmem_shared>>) target_semaphore(%run_scoped3A : memref<!tpu.dma_semaphore, #tpu.memory_space<semaphore_mem>>)
      %dma_wait3A = arith.constant 0 : i32
      %dma_wait3A_64 = arith.constant 0 : i32
      %dma_wait3A_65 = tpu.memref_slice %arg8[%dma_wait3A, %dma_wait3A_64] : memref<125x128xf32, #tpu.memory_space<vmem>> -> memref<64x128xf32, #tpu.memory_space<vmem>>
      %dma_wait3A_66 = arith.constant 0 : i32
      %dma_wait3A_67 = tpu.memref_slice %arg9[%add3A_32, %dma_wait3A_66] : memref<10240x128xf32, #tpu.memory_space<vmem_shared>> -> memref<64x128xf32, #tpu.memory_space<vmem_shared>>
      %dma_wait3A_68 = arith.constant 0 : i32
      %dma_wait3A_69 = tpu.memref_slice %arg9[%add3A_32, %dma_wait3A_68] : memref<10240x128xf32, #tpu.memory_space<vmem_shared>> -> memref<64x128xf32, #tpu.memory_space<vmem_shared>>
      %dma_wait3A_70 = arith.constant 0 : i32
      %dma_wait3A_71 = arith.constant 0 : i32
      %dma_wait3A_72 = tpu.memref_slice %arg8[%dma_wait3A_70, %dma_wait3A_71] : memref<125x128xf32, #tpu.memory_space<vmem>> -> memref<64x128xf32, #tpu.memory_space<vmem>>
      tpu.wait_dma2 semaphore(%run_scoped3A : memref<!tpu.dma_semaphore, #tpu.memory_space<semaphore_mem>>) src(%dma_wait3A_72 : memref<64x128xf32, #tpu.memory_space<vmem>>) dst(%dma_wait3A_69 : memref<64x128xf32, #tpu.memory_space<vmem_shared>>)
      tpu.yield
    }) : () -> ()
    %mul3A_33 = arith.constant 640 : i32
    %mul3A_34 = arith.muli %arg1, %mul3A_33 : i32
    %add3A_35 = arith.constant 448 : i32
    %add3A_36 = arith.addi %mul3A_34, %add3A_35 : i32
    "tpu.region"() ({
      %run_scoped3A = tpu.sem_alloc : memref<!tpu.dma_semaphore, #tpu.memory_space<semaphore_mem>>
      %dma_start3A = arith.constant 0 : i32
      %dma_start3A_55 = arith.constant 0 : i32
      %dma_start3A_56 = tpu.memref_slice %arg8[%dma_start3A, %dma_start3A_55] : memref<125x128xf32, #tpu.memory_space<vmem>> -> memref<64x128xf32, #tpu.memory_space<vmem>>
      %dma_start3A_57 = arith.constant 0 : i32
      %dma_start3A_58 = tpu.memref_slice %arg9[%add3A_36, %dma_start3A_57] : memref<10240x128xf32, #tpu.memory_space<vmem_shared>> -> memref<64x128xf32, #tpu.memory_space<vmem_shared>>
      %dma_start3A_59 = arith.constant 0 : i32
      %dma_start3A_60 = tpu.memref_slice %arg9[%add3A_36, %dma_start3A_59] : memref<10240x128xf32, #tpu.memory_space<vmem_shared>> -> memref<64x128xf32, #tpu.memory_space<vmem_shared>>
      %dma_start3A_61 = arith.constant 0 : i32
      %dma_start3A_62 = arith.constant 0 : i32
      %dma_start3A_63 = tpu.memref_slice %arg8[%dma_start3A_61, %dma_start3A_62] : memref<125x128xf32, #tpu.memory_space<vmem>> -> memref<64x128xf32, #tpu.memory_space<vmem>>
      tpu.enqueue_dma source(%dma_start3A_63 : memref<64x128xf32, #tpu.memory_space<vmem>>) target(%dma_start3A_60 : memref<64x128xf32, #tpu.memory_space<vmem_shared>>) target_semaphore(%run_scoped3A : memref<!tpu.dma_semaphore, #tpu.memory_space<semaphore_mem>>)
      %dma_wait3A = arith.constant 0 : i32
      %dma_wait3A_64 = arith.constant 0 : i32
      %dma_wait3A_65 = tpu.memref_slice %arg8[%dma_wait3A, %dma_wait3A_64] : memref<125x128xf32, #tpu.memory_space<vmem>> -> memref<64x128xf32, #tpu.memory_space<vmem>>
      %dma_wait3A_66 = arith.constant 0 : i32
      %dma_wait3A_67 = tpu.memref_slice %arg9[%add3A_36, %dma_wait3A_66] : memref<10240x128xf32, #tpu.memory_space<vmem_shared>> -> memref<64x128xf32, #tpu.memory_space<vmem_shared>>
      %dma_wait3A_68 = arith.constant 0 : i32
      %dma_wait3A_69 = tpu.memref_slice %arg9[%add3A_36, %dma_wait3A_68] : memref<10240x128xf32, #tpu.memory_space<vmem_shared>> -> memref<64x128xf32, #tpu.memory_space<vmem_shared>>
      %dma_wait3A_70 = arith.constant 0 : i32
      %dma_wait3A_71 = arith.constant 0 : i32
      %dma_wait3A_72 = tpu.memref_slice %arg8[%dma_wait3A_70, %dma_wait3A_71] : memref<125x128xf32, #tpu.memory_space<vmem>> -> memref<64x128xf32, #tpu.memory_space<vmem>>
      tpu.wait_dma2 semaphore(%run_scoped3A : memref<!tpu.dma_semaphore, #tpu.memory_space<semaphore_mem>>) src(%dma_wait3A_72 : memref<64x128xf32, #tpu.memory_space<vmem>>) dst(%dma_wait3A_69 : memref<64x128xf32, #tpu.memory_space<vmem_shared>>)
      tpu.yield
    }) : () -> ()
    %mul3A_37 = arith.constant 640 : i32
    %mul3A_38 = arith.muli %arg1, %mul3A_37 : i32
    %add3A_39 = arith.constant 512 : i32
    %add3A_40 = arith.addi %mul3A_38, %add3A_39 : i32
    "tpu.region"() ({
      %run_scoped3A = tpu.sem_alloc : memref<!tpu.dma_semaphore, #tpu.memory_space<semaphore_mem>>
      %dma_start3A = arith.constant 0 : i32
      %dma_start3A_55 = arith.constant 0 : i32
      %dma_start3A_56 = tpu.memref_slice %arg8[%dma_start3A, %dma_start3A_55] : memref<125x128xf32, #tpu.memory_space<vmem>> -> memref<64x128xf32, #tpu.memory_space<vmem>>
      %dma_start3A_57 = arith.constant 0 : i32
      %dma_start3A_58 = tpu.memref_slice %arg9[%add3A_40, %dma_start3A_57] : memref<10240x128xf32, #tpu.memory_space<vmem_shared>> -> memref<64x128xf32, #tpu.memory_space<vmem_shared>>
      %dma_start3A_59 = arith.constant 0 : i32
      %dma_start3A_60 = tpu.memref_slice %arg9[%add3A_40, %dma_start3A_59] : memref<10240x128xf32, #tpu.memory_space<vmem_shared>> -> memref<64x128xf32, #tpu.memory_space<vmem_shared>>
      %dma_start3A_61 = arith.constant 0 : i32
      %dma_start3A_62 = arith.constant 0 : i32
      %dma_start3A_63 = tpu.memref_slice %arg8[%dma_start3A_61, %dma_start3A_62] : memref<125x128xf32, #tpu.memory_space<vmem>> -> memref<64x128xf32, #tpu.memory_space<vmem>>
      tpu.enqueue_dma source(%dma_start3A_63 : memref<64x128xf32, #tpu.memory_space<vmem>>) target(%dma_start3A_60 : memref<64x128xf32, #tpu.memory_space<vmem_shared>>) target_semaphore(%run_scoped3A : memref<!tpu.dma_semaphore, #tpu.memory_space<semaphore_mem>>)
      %dma_wait3A = arith.constant 0 : i32
      %dma_wait3A_64 = arith.constant 0 : i32
      %dma_wait3A_65 = tpu.memref_slice %arg8[%dma_wait3A, %dma_wait3A_64] : memref<125x128xf32, #tpu.memory_space<vmem>> -> memref<64x128xf32, #tpu.memory_space<vmem>>
      %dma_wait3A_66 = arith.constant 0 : i32
      %dma_wait3A_67 = tpu.memref_slice %arg9[%add3A_40, %dma_wait3A_66] : memref<10240x128xf32, #tpu.memory_space<vmem_shared>> -> memref<64x128xf32, #tpu.memory_space<vmem_shared>>
      %dma_wait3A_68 = arith.constant 0 : i32
      %dma_wait3A_69 = tpu.memref_slice %arg9[%add3A_40, %dma_wait3A_68] : memref<10240x128xf32, #tpu.memory_space<vmem_shared>> -> memref<64x128xf32, #tpu.memory_space<vmem_shared>>
      %dma_wait3A_70 = arith.constant 0 : i32
      %dma_wait3A_71 = arith.constant 0 : i32
      %dma_wait3A_72 = tpu.memref_slice %arg8[%dma_wait3A_70, %dma_wait3A_71] : memref<125x128xf32, #tpu.memory_space<vmem>> -> memref<64x128xf32, #tpu.memory_space<vmem>>
      tpu.wait_dma2 semaphore(%run_scoped3A : memref<!tpu.dma_semaphore, #tpu.memory_space<semaphore_mem>>) src(%dma_wait3A_72 : memref<64x128xf32, #tpu.memory_space<vmem>>) dst(%dma_wait3A_69 : memref<64x128xf32, #tpu.memory_space<vmem_shared>>)
      tpu.yield
    }) : () -> ()
    %mul3A_41 = arith.constant 640 : i32
    %mul3A_42 = arith.muli %arg1, %mul3A_41 : i32
    %add3A_43 = arith.constant 576 : i32
    %add3A_44 = arith.addi %mul3A_42, %add3A_43 : i32
    "tpu.region"() ({
      %run_scoped3A = tpu.sem_alloc : memref<!tpu.dma_semaphore, #tpu.memory_space<semaphore_mem>>
      %dma_start3A = arith.constant 0 : i32
      %dma_start3A_55 = arith.constant 0 : i32
      %dma_start3A_56 = tpu.memref_slice %arg8[%dma_start3A, %dma_start3A_55] : memref<125x128xf32, #tpu.memory_space<vmem>> -> memref<64x128xf32, #tpu.memory_space<vmem>>
      %dma_start3A_57 = arith.constant 0 : i32
      %dma_start3A_58 = tpu.memref_slice %arg9[%add3A_44, %dma_start3A_57] : memref<10240x128xf32, #tpu.memory_space<vmem_shared>> -> memref<64x128xf32, #tpu.memory_space<vmem_shared>>
      %dma_start3A_59 = arith.constant 0 : i32
      %dma_start3A_60 = tpu.memref_slice %arg9[%add3A_44, %dma_start3A_59] : memref<10240x128xf32, #tpu.memory_space<vmem_shared>> -> memref<64x128xf32, #tpu.memory_space<vmem_shared>>
      %dma_start3A_61 = arith.constant 0 : i32
      %dma_start3A_62 = arith.constant 0 : i32
      %dma_start3A_63 = tpu.memref_slice %arg8[%dma_start3A_61, %dma_start3A_62] : memref<125x128xf32, #tpu.memory_space<vmem>> -> memref<64x128xf32, #tpu.memory_space<vmem>>
      tpu.enqueue_dma source(%dma_start3A_63 : memref<64x128xf32, #tpu.memory_space<vmem>>) target(%dma_start3A_60 : memref<64x128xf32, #tpu.memory_space<vmem_shared>>) target_semaphore(%run_scoped3A : memref<!tpu.dma_semaphore, #tpu.memory_space<semaphore_mem>>)
      %dma_wait3A = arith.constant 0 : i32
      %dma_wait3A_64 = arith.constant 0 : i32
      %dma_wait3A_65 = tpu.memref_slice %arg8[%dma_wait3A, %dma_wait3A_64] : memref<125x128xf32, #tpu.memory_space<vmem>> -> memref<64x128xf32, #tpu.memory_space<vmem>>
      %dma_wait3A_66 = arith.constant 0 : i32
      %dma_wait3A_67 = tpu.memref_slice %arg9[%add3A_44, %dma_wait3A_66] : memref<10240x128xf32, #tpu.memory_space<vmem_shared>> -> memref<64x128xf32, #tpu.memory_space<vmem_shared>>
      %dma_wait3A_68 = arith.constant 0 : i32
      %dma_wait3A_69 = tpu.memref_slice %arg9[%add3A_44, %dma_wait3A_68] : memref<10240x128xf32, #tpu.memory_space<vmem_shared>> -> memref<64x128xf32, #tpu.memory_space<vmem_shared>>
      %dma_wait3A_70 = arith.constant 0 : i32
      %dma_wait3A_71 = arith.constant 0 : i32
      %dma_wait3A_72 = tpu.memref_slice %arg8[%dma_wait3A_70, %dma_wait3A_71] : memref<125x128xf32, #tpu.memory_space<vmem>> -> memref<64x128xf32, #tpu.memory_space<vmem>>
      tpu.wait_dma2 semaphore(%run_scoped3A : memref<!tpu.dma_semaphore, #tpu.memory_space<semaphore_mem>>) src(%dma_wait3A_72 : memref<64x128xf32, #tpu.memory_space<vmem>>) dst(%dma_wait3A_69 : memref<64x128xf32, #tpu.memory_space<vmem_shared>>)
      tpu.yield
    }) : () -> ()
    %barrier3A = arith.constant 0 : index
    tpu.barrier barrier_id(%barrier3A)
    %scan3A_45 = arith.constant 0 : i32
    %scan3A_46 = arith.constant 80 : i32
    %scan3A_47 = arith.addi %scan3A_45, %scan3A_46 : i32
    %scan3A_48 = arith.constant 1 : i32
    scf.for %scan3A_55 = %scan3A_45 to %scan3A_47 step %scan3A_48  : i32 {
      %mul3A_56 = arith.constant 1 : i32
      %mul3A_57 = arith.muli %scan3A_55, %mul3A_56 : i32
      %add3A_58 = arith.constant 0 : i32
      %add3A_59 = arith.addi %add3A_58, %mul3A_57 : i32
      "tpu.region"() ({
        %run_scoped3A = tpu.sem_alloc : memref<!tpu.dma_semaphore, #tpu.memory_space<semaphore_mem>>
        %dma_start3A = arith.constant 0 : i32
        %dma_start3A_60 = tpu.memref_slice %arg6[%add3A_59, %dma_start3A] : memref<80x125xi32, #tpu.memory_space<vmem>> -> memref<1x125xi32, #tpu.memory_space<vmem>>
        %dma_start3A_61 = tpu.memref_squeeze %dma_start3A_60 : memref<1x125xi32, #tpu.memory_space<vmem>> -> memref<125xi32, #tpu.memory_space<vmem>>
        %dma_start3A_62 = arith.constant 0 : i32
        %dma_start3A_63 = arith.constant 0 : i32
        %dma_start3A_64 = tpu.memref_slice %arg2[%dma_start3A_62, %dma_start3A_63] : memref<10000x128xf32, #tpu.memory_space<hbm>> -> memref<10000x128xf32, #tpu.memory_space<hbm>>
        tpu.enqueue_indirect_dma source(%dma_start3A_64 : memref<10000x128xf32, #tpu.memory_space<hbm>>) target(%arg8 : memref<125x128xf32, #tpu.memory_space<vmem>>) offsets(%dma_start3A_61 : memref<125xi32, #tpu.memory_space<vmem>>) semaphore(%run_scoped3A : memref<!tpu.dma_semaphore, #tpu.memory_space<semaphore_mem>>)
        %dma_wait3A = arith.constant 0 : i32
        %dma_wait3A_65 = tpu.memref_slice %arg6[%add3A_59, %dma_wait3A] : memref<80x125xi32, #tpu.memory_space<vmem>> -> memref<1x125xi32, #tpu.memory_space<vmem>>
        %dma_wait3A_66 = tpu.memref_squeeze %dma_wait3A_65 : memref<1x125xi32, #tpu.memory_space<vmem>> -> memref<125xi32, #tpu.memory_space<vmem>>
        %dma_wait3A_67 = arith.constant 0 : i32
        %dma_wait3A_68 = arith.constant 0 : i32
        %dma_wait3A_69 = tpu.memref_slice %arg2[%dma_wait3A_67, %dma_wait3A_68] : memref<10000x128xf32, #tpu.memory_space<hbm>> -> memref<10000x128xf32, #tpu.memory_space<hbm>>
        tpu.wait_indirect_dma semaphore(%run_scoped3A : memref<!tpu.dma_semaphore, #tpu.memory_space<semaphore_mem>>) src(%dma_wait3A_69 : memref<10000x128xf32, #tpu.memory_space<hbm>>) dst(%arg8 : memref<125x128xf32, #tpu.memory_space<vmem>>)
        tpu.yield
      }) : () -> ()
      "tpu.region"() ({
        %run_scoped3A = tpu.sem_alloc : memref<!tpu.dma_semaphore, #tpu.memory_space<semaphore_mem>>
        %dma_start3A = arith.constant 0 : i32
        %dma_start3A_60 = tpu.memref_slice %arg7[%add3A_59, %dma_start3A] : memref<80x125xi32, #tpu.memory_space<vmem>> -> memref<1x125xi32, #tpu.memory_space<vmem>>
        %dma_start3A_61 = tpu.memref_squeeze %dma_start3A_60 : memref<1x125xi32, #tpu.memory_space<vmem>> -> memref<125xi32, #tpu.memory_space<vmem>>
        %dma_start3A_62 = arith.constant 0 : i32
        %dma_start3A_63 = arith.constant 0 : i32
        %dma_start3A_64 = tpu.memref_slice %arg9[%dma_start3A_62, %dma_start3A_63] : memref<10240x128xf32, #tpu.memory_space<vmem_shared>> -> memref<10240x128xf32, #tpu.memory_space<vmem_shared>>
        tpu.enqueue_indirect_dma source(%arg8 : memref<125x128xf32, #tpu.memory_space<vmem>>) target(%dma_start3A_64 : memref<10240x128xf32, #tpu.memory_space<vmem_shared>>) offsets(%dma_start3A_61 : memref<125xi32, #tpu.memory_space<vmem>>) semaphore(%run_scoped3A : memref<!tpu.dma_semaphore, #tpu.memory_space<semaphore_mem>>) {add = true}
        %dma_wait3A = arith.constant 0 : i32
        %dma_wait3A_65 = tpu.memref_slice %arg7[%add3A_59, %dma_wait3A] : memref<80x125xi32, #tpu.memory_space<vmem>> -> memref<1x125xi32, #tpu.memory_space<vmem>>
        %dma_wait3A_66 = tpu.memref_squeeze %dma_wait3A_65 : memref<1x125xi32, #tpu.memory_space<vmem>> -> memref<125xi32, #tpu.memory_space<vmem>>
        %dma_wait3A_67 = arith.constant 0 : i32
        %dma_wait3A_68 = arith.constant 0 : i32
        %dma_wait3A_69 = tpu.memref_slice %arg9[%dma_wait3A_67, %dma_wait3A_68] : memref<10240x128xf32, #tpu.memory_space<vmem_shared>> -> memref<10240x128xf32, #tpu.memory_space<vmem_shared>>
        tpu.wait_indirect_dma semaphore(%run_scoped3A : memref<!tpu.dma_semaphore, #tpu.memory_space<semaphore_mem>>) src(%arg8 : memref<125x128xf32, #tpu.memory_space<vmem>>) dst(%dma_wait3A_69 : memref<10240x128xf32, #tpu.memory_space<vmem_shared>>)
        tpu.yield
      }) : () -> ()
    }
    %scan3A_49 = arith.constant 80 : i32
    %barrier3A_50 = arith.constant 0 : index
    tpu.barrier barrier_id(%barrier3A_50)
    %mul3A_51 = arith.constant 640 : i32
    %mul3A_52 = arith.muli %arg1, %mul3A_51 : i32
    %mul3A_53 = arith.constant 640 : i32
    %mul3A_54 = arith.muli %arg1, %mul3A_53 : i32
    "tpu.region"() ({
      %run_scoped3A = tpu.sem_alloc : memref<!tpu.dma_semaphore, #tpu.memory_space<semaphore_mem>>
      %dma_start3A = arith.constant 0 : i32
      %dma_start3A_55 = tpu.memref_slice %arg5[%arg0, %mul3A_54, %dma_start3A] : memref<2x10240x128xf32, #tpu.memory_space<hbm>> -> memref<1x640x128xf32, #tpu.memory_space<hbm>>
      %dma_start3A_56 = tpu.memref_squeeze %dma_start3A_55 : memref<1x640x128xf32, #tpu.memory_space<hbm>> -> memref<640x128xf32, #tpu.memory_space<hbm>>
      %dma_start3A_57 = arith.constant 0 : i32
      %dma_start3A_58 = tpu.memref_slice %arg9[%mul3A_52, %dma_start3A_57] : memref<10240x128xf32, #tpu.memory_space<vmem_shared>> -> memref<640x128xf32, #tpu.memory_space<vmem_shared>>
      tpu.enqueue_dma source(%dma_start3A_58 : memref<640x128xf32, #tpu.memory_space<vmem_shared>>) target(%dma_start3A_56 : memref<640x128xf32, #tpu.memory_space<hbm>>) target_semaphore(%run_scoped3A : memref<!tpu.dma_semaphore, #tpu.memory_space<semaphore_mem>>)
      %dma_wait3A = arith.constant 0 : i32
      %dma_wait3A_59 = tpu.memref_slice %arg5[%arg0, %mul3A_54, %dma_wait3A] : memref<2x10240x128xf32, #tpu.memory_space<hbm>> -> memref<1x640x128xf32, #tpu.memory_space<hbm>>
      %dma_wait3A_60 = tpu.memref_squeeze %dma_wait3A_59 : memref<1x640x128xf32, #tpu.memory_space<hbm>> -> memref<640x128xf32, #tpu.memory_space<hbm>>
      %dma_wait3A_61 = arith.constant 0 : i32
      %dma_wait3A_62 = tpu.memref_slice %arg9[%mul3A_52, %dma_wait3A_61] : memref<10240x128xf32, #tpu.memory_space<vmem_shared>> -> memref<640x128xf32, #tpu.memory_space<vmem_shared>>
      tpu.wait_dma2 semaphore(%run_scoped3A : memref<!tpu.dma_semaphore, #tpu.memory_space<semaphore_mem>>) src(%dma_wait3A_62 : memref<640x128xf32, #tpu.memory_space<vmem_shared>>) dst(%dma_wait3A_60 : memref<640x128xf32, #tpu.memory_space<hbm>>)
      tpu.yield
    }) : () -> ()
    return
  }
}

module attributes {stable_mosaic.version = 14 : i64} {
  func.func @body(%arg0: memref<2x10240x128xf32, #tpu.memory_space<vmem>>, %arg1: memref<128x128xf32, #tpu.memory_space<vmem>>, %arg2: memref<1x128xf32, #tpu.memory_space<vmem>>, %arg3: memref<128x128xf32, #tpu.memory_space<vmem>>, %arg4: memref<1x128xf32, #tpu.memory_space<vmem>>, %arg5: memref<1x128xf32, #tpu.memory_space<vmem>>, %arg6: memref<1x128xf32, #tpu.memory_space<vmem>>, %arg7: memref<128x16xf32, #tpu.memory_space<vmem>>, %arg8: memref<1x16xf32, #tpu.memory_space<vmem>>, %arg9: memref<10000x16xf32, #tpu.memory_space<vmem>>) attributes {dimension_semantics = [], scalar_prefetch = 0 : i64, scratch_operands = 0 : i64, tpu.core_type = #tpu.core_type<tc>} {
    %get3A = arith.constant 0 : index
    %get3A_0 = arith.constant 0 : index
    %get3A_1 = arith.constant 0 : index
    %get3A_2 = vector.load %arg0[%get3A, %get3A_0, %get3A_1] : memref<2x10240x128xf32, #tpu.memory_space<vmem>>, vector<1x10000x128xf32>
    %get3A_3 = vector.shape_cast %get3A_2 : vector<1x10000x128xf32> to vector<10000x128xf32>
    %get3A_4 = arith.constant 1 : index
    %get3A_5 = arith.constant 0 : index
    %get3A_6 = arith.constant 0 : index
    %get3A_7 = vector.load %arg0[%get3A_4, %get3A_5, %get3A_6] : memref<2x10240x128xf32, #tpu.memory_space<vmem>>, vector<1x10000x128xf32>
    %get3A_8 = vector.shape_cast %get3A_7 : vector<1x10000x128xf32> to vector<10000x128xf32>
    %add3A = arith.addf %get3A_3, %get3A_8 : vector<10000x128xf32>
    %get3A_9 = arith.constant 0 : index
    %get3A_10 = arith.constant 0 : index
    %get3A_11 = vector.load %arg1[%get3A_9, %get3A_10] : memref<128x128xf32, #tpu.memory_space<vmem>>, vector<128x128xf32>
    %dot_general3A = arith.constant dense<0.000000e+00> : vector<10000x128xf32>
    %dot_general3A_12 = tpu.matmul %add3A, %get3A_11, %dot_general3A {dimension_numbers = #tpu.dot_dimension_numbers<[1], [0], [0], [1], [0, 0, 1, 1], [], []>, precision = #tpu.contract_precision<fp32>, transpose_lhs_hint = false} : vector<10000x128xf32>, vector<128x128xf32>, vector<10000x128xf32> -> vector<10000x128xf32>
    %get3A_13 = arith.constant 0 : index
    %get3A_14 = arith.constant 0 : index
    %get3A_15 = vector.load %arg2[%get3A_13, %get3A_14] : memref<1x128xf32, #tpu.memory_space<vmem>>, vector<1x128xf32>
    %add3A_16 = vector.broadcast %get3A_15 : vector<1x128xf32> to vector<10000x128xf32>
    %add3A_17 = arith.addf %dot_general3A_12, %add3A_16 : vector<10000x128xf32>
    %max3A = arith.constant 0.000000e+00 : f32
    %max3A_18 = vector.broadcast %max3A : f32 to vector<10000x128xf32>
    %max3A_19 = arith.maximumf %add3A_17, %max3A_18 : vector<10000x128xf32>
    %get3A_20 = arith.constant 0 : index
    %get3A_21 = arith.constant 0 : index
    %get3A_22 = vector.load %arg3[%get3A_20, %get3A_21] : memref<128x128xf32, #tpu.memory_space<vmem>>, vector<128x128xf32>
    %dot_general3A_23 = arith.constant dense<0.000000e+00> : vector<10000x128xf32>
    %dot_general3A_24 = tpu.matmul %max3A_19, %get3A_22, %dot_general3A_23 {dimension_numbers = #tpu.dot_dimension_numbers<[1], [0], [0], [1], [0, 0, 1, 1], [], []>, precision = #tpu.contract_precision<fp32>, transpose_lhs_hint = false} : vector<10000x128xf32>, vector<128x128xf32>, vector<10000x128xf32> -> vector<10000x128xf32>
    %get3A_25 = arith.constant 0 : index
    %get3A_26 = arith.constant 0 : index
    %get3A_27 = vector.load %arg4[%get3A_25, %get3A_26] : memref<1x128xf32, #tpu.memory_space<vmem>>, vector<1x128xf32>
    %add3A_28 = vector.broadcast %get3A_27 : vector<1x128xf32> to vector<10000x128xf32>
    %add3A_29 = arith.addf %dot_general3A_24, %add3A_28 : vector<10000x128xf32>
    %max3A_30 = arith.constant 0.000000e+00 : f32
    %max3A_31 = vector.broadcast %max3A_30 : f32 to vector<10000x128xf32>
    %max3A_32 = arith.maximumf %add3A_29, %max3A_31 : vector<10000x128xf32>
    %reduce_sum3A = arith.constant dense<0.000000e+00> : vector<128xf32>
    %reduce_sum3A_33 = vector.multi_reduction <add>, %max3A_32, %reduce_sum3A [0] : vector<10000x128xf32> to vector<128xf32>
    %broadcast_in_dim3A = vector.shape_cast %reduce_sum3A_33 : vector<128xf32> to vector<1x128xf32>
    %div3A = arith.constant 1.000000e+04 : f32
    %div3A_34 = vector.broadcast %div3A : f32 to vector<1x128xf32>
    %div3A_35 = arith.divf %broadcast_in_dim3A, %div3A_34 : vector<1x128xf32>
    %sub3A = vector.broadcast %div3A_35 : vector<1x128xf32> to vector<10000x128xf32>
    %sub3A_36 = arith.subf %max3A_32, %sub3A : vector<10000x128xf32>
    %integer_pow3A = arith.mulf %sub3A_36, %sub3A_36 : vector<10000x128xf32>
    %reduce_sum3A_37 = arith.constant dense<0.000000e+00> : vector<128xf32>
    %reduce_sum3A_38 = vector.multi_reduction <add>, %integer_pow3A, %reduce_sum3A_37 [0] : vector<10000x128xf32> to vector<128xf32>
    %broadcast_in_dim3A_39 = vector.shape_cast %reduce_sum3A_38 : vector<128xf32> to vector<1x128xf32>
    %div3A_40 = arith.constant 1.000000e+04 : f32
    %div3A_41 = vector.broadcast %div3A_40 : f32 to vector<1x128xf32>
    %div3A_42 = arith.divf %broadcast_in_dim3A_39, %div3A_41 : vector<1x128xf32>
    %sub3A_43 = vector.broadcast %div3A_35 : vector<1x128xf32> to vector<10000x128xf32>
    %sub3A_44 = arith.subf %max3A_32, %sub3A_43 : vector<10000x128xf32>
    %add3A_45 = arith.constant 9.99999974E-6 : f32
    %add3A_46 = vector.broadcast %add3A_45 : f32 to vector<1x128xf32>
    %add3A_47 = arith.addf %div3A_42, %add3A_46 : vector<1x128xf32>
    %rsqrt3A = math.rsqrt %add3A_47 : vector<1x128xf32>
    %mul3A = vector.broadcast %rsqrt3A : vector<1x128xf32> to vector<10000x128xf32>
    %mul3A_48 = arith.mulf %sub3A_44, %mul3A : vector<10000x128xf32>
    %get3A_49 = arith.constant 0 : index
    %get3A_50 = arith.constant 0 : index
    %get3A_51 = vector.load %arg5[%get3A_49, %get3A_50] : memref<1x128xf32, #tpu.memory_space<vmem>>, vector<1x128xf32>
    %mul3A_52 = vector.broadcast %get3A_51 : vector<1x128xf32> to vector<10000x128xf32>
    %mul3A_53 = arith.mulf %mul3A_48, %mul3A_52 : vector<10000x128xf32>
    %get3A_54 = arith.constant 0 : index
    %get3A_55 = arith.constant 0 : index
    %get3A_56 = vector.load %arg6[%get3A_54, %get3A_55] : memref<1x128xf32, #tpu.memory_space<vmem>>, vector<1x128xf32>
    %add3A_57 = vector.broadcast %get3A_56 : vector<1x128xf32> to vector<10000x128xf32>
    %add3A_58 = arith.addf %mul3A_53, %add3A_57 : vector<10000x128xf32>
    %get3A_59 = arith.constant 0 : index
    %get3A_60 = arith.constant 0 : index
    %get3A_61 = vector.load %arg7[%get3A_59, %get3A_60] : memref<128x16xf32, #tpu.memory_space<vmem>>, vector<128x16xf32>
    %dot_general3A_62 = arith.constant dense<0.000000e+00> : vector<10000x16xf32>
    %dot_general3A_63 = tpu.matmul %add3A_58, %get3A_61, %dot_general3A_62 {dimension_numbers = #tpu.dot_dimension_numbers<[1], [0], [0], [1], [0, 0, 1, 1], [], []>, precision = #tpu.contract_precision<fp32>, transpose_lhs_hint = false} : vector<10000x128xf32>, vector<128x16xf32>, vector<10000x16xf32> -> vector<10000x16xf32>
    %get3A_64 = arith.constant 0 : index
    %get3A_65 = arith.constant 0 : index
    %get3A_66 = vector.load %arg8[%get3A_64, %get3A_65] : memref<1x16xf32, #tpu.memory_space<vmem>>, vector<1x16xf32>
    %add3A_67 = vector.broadcast %get3A_66 : vector<1x16xf32> to vector<10000x16xf32>
    %add3A_68 = arith.addf %dot_general3A_63, %add3A_67 : vector<10000x16xf32>
    %reduce_max3A = arith.constant dense<0xFF800000> : vector<10000xf32>
    %reduce_max3A_69 = vector.multi_reduction <maximumf>, %add3A_68, %reduce_max3A [1] : vector<10000x16xf32> to vector<10000xf32>
    %broadcast_in_dim3A_70 = vector.shape_cast %reduce_max3A_69 : vector<10000xf32> to vector<10000x1xf32>
    %sub3A_71 = vector.broadcast %broadcast_in_dim3A_70 : vector<10000x1xf32> to vector<10000x16xf32>
    %sub3A_72 = arith.subf %add3A_68, %sub3A_71 : vector<10000x16xf32>
    %exp3A = math.exp %sub3A_72 : vector<10000x16xf32>
    %reduce_sum3A_73 = arith.constant dense<0.000000e+00> : vector<10000xf32>
    %reduce_sum3A_74 = vector.multi_reduction <add>, %exp3A, %reduce_sum3A_73 [1] : vector<10000x16xf32> to vector<10000xf32>
    %broadcast_in_dim3A_75 = vector.shape_cast %reduce_sum3A_74 : vector<10000xf32> to vector<10000x1xf32>
    %div3A_76 = vector.broadcast %broadcast_in_dim3A_75 : vector<10000x1xf32> to vector<10000x16xf32>
    %div3A_77 = arith.divf %exp3A, %div3A_76 : vector<10000x16xf32>
    %swap3A = arith.constant 0 : index
    %swap3A_78 = arith.constant 0 : index
    %swap3A_79 = vector.load %arg9[%swap3A, %swap3A_78] : memref<10000x16xf32, #tpu.memory_space<vmem>>, vector<10000x16xf32>
    tpu.vector_store %arg9[%swap3A, %swap3A_78], %div3A_77 {strides = array<i32>} : memref<10000x16xf32, #tpu.memory_space<vmem>>, vector<10000x16xf32>,
    return
  }
}

</mosaic_0001>

<sc_bundles>
// kernel: kernel.4.cloned.1.call-start
scs
__scs_entry_jumppad:
0x0: {  	(pc) =	sbr.rel $0x88, $3  }
0x1: {  	(tag) =	ssettag $0x0;
	lr =	simm.s32 $0x1  }
0x2: {  	[smem:$0x3F97] =	sst lr;
	_ =	strace $0xD0000000  }
0x3: {  	_ = 	snop  }
0x4: {  	_ = 	snop  }
0x5: {  	_ = 	snop  }
0x6: {  	_ = 	snop  }
0x7: {  	_ = 	snop  }
__scs_overlays_trampoline_lowered:
0x8: {  	[smem:$0x3FA6] =	sst s0  }
0x9: {  	[smem:$0x3FA7] =	sst s1  }
0xa: {  	[smem:$0x3FA8] =	sst s2  }
0xb: {  	[smem:$0x3FA9] =	sst s3  }
0xc: {  	[smem:$0x3FAA] =	sst s4  }
0xd: {  	[smem:$0x3FAB] =	sst s5  }
0xe: {  	[smem:$0x3FAC] =	sst s6  }
0xf: {  	[smem:$0x3FAD] =	sst s7  }
0x10: {  	[smem:$0x3FAE] =	sst s8  }
0x11: {  	[smem:$0x3FAF] =	sst s9;
	s0 =	simm.s32 @!p0 $0x0  }
0x12: {  	s1 =	sld [smem:$0x3F95];
	s0 =	simm.s32 @p0 $0x1  }
0x13: {  	[smem:$0x3FB0] =	sst s0;
	s0 =	simm.s32 @!p1 $0x0  }
0x14: {  	s2 =	sld [smem:$0x3F94];
	s0 =	simm.s32 @p1 $0x1  }
0x15: {  	[smem:$0x3FB1] =	sst s0;
	s0 =	simm.s32 @!p2 $0x0  }
0x16: {  	s3 =	sld [smem:$0x3FDB];
	s0 =	simm.s32 @p2 $0x1  }
0x17: {  	s4 =	simm.s32 $0x1BF5;
	[smem:$0x3FB3] =	sst s0  }
0x18: {  	s0 =	sld [smem:$0x3F96];
	_ =	swait.ge [sflag:s4], $0x0  }
0x19: {  	s7 =	sld [smem:$0x3F97]  }
0x1a: {  	s8 =	sadd.s32 $0xFFFFE003, lr  }
0x1b: {  	s9 =	sadd.s32 $0xFFFFFEF7, lr;
	s5 =	simm.s32 $0xFFFFFFFF;
	p2 =	slt.u32 s8, $0xFFFFF086  }
0x1c: {  	p1 =	slt.u32 s9, $0xF7A;
	s5 =	simm.s32 @!p2 $0x0  }
0x1d: {  	s5 =	simm.s32 @p1 $0x1;
	p0 =	seq.s32 s7, s2  }
0x1e: {  	s7 =	smul.u32 @!p0 $0xF7A, s2;
	p2 =	seq.s32 @!p0 s5, $0x0  }
0x1f: {  	s9 =	smul.u32 $0xF7A, s1;
	s8 =	simm.s32 @!p0 $0x1BF5;
	p2 =	por !p2, p0  }
0x20: {  	[sflag:s8] =	ssyncset.s32 @!p0 $0xFFFFF086;
	s6 =	sadd.s32 @!p0 s3, s7;
	s7 =	simm.s32 @!p0 $0x108  }
0x21: {  	s3 =	sadd.s32 s3, s9;
	s6 =	sadd.s32 @!p0 $0x88, s6;
	s7 =	simm.s32 @p2 $0x1082  }
0x22: {  	[simem:s7], [sflag:s8] =	dma.local @!p0 [hbm:s6], $0xF7A  }
0x23: {  	s9 =	sor.u32 $0xD0000000, s2;
	s6 =	simm.s32 $0x108;
	_ =	swait.ge @!p0 [sflag:s8], $0x0  }
0x24: {  	s3 =	sadd.s32 $0x88, s3;
	s6 =	simm.s32 @!p1 $0x1082;
	[sflag:s4] =	ssyncset.s32 $0xFFFFF086  }
0x25: {  	[simem:s6], [sflag:s4] =	dma.local [hbm:s3], $0xF7A  }
0x26: {  	[smem:$0x3F97] =	sst s1;
	(tag) =	ssettag s2;
	_ =	strace s9  }
0x27: {  	s1 =	sld [smem:$0x3FA7]  }
0x28: {  	s2 =	sld [smem:$0x3FA8]  }
0x29: {  	s4 =	sld [smem:$0x3FAA]  }
0x2a: {  	p0 =	seq.s32 s5, $0x0;
	s5 =	sld [smem:$0x3FAB]  }
0x2b: {  	s6 =	sld [smem:$0x3FAC]  }
0x2c: {  	s7 =	sld [smem:$0x3FAD]  }
0x2d: {  	s3 =	simm.s32 $0x108;
	s8 =	sld [smem:$0x3FAE]  }
0x2e: {  	s3 =	simm.s32 @!p0 $0x1082;
	s9 =	sld [smem:$0x3FAF]  }
0x2f: {  	lr =	sadd.s32 s0, s3;
	s0 =	sld [smem:$0x3FA6]  }
0x30: {  	s3 =	sld [smem:$0x3FA9]  }
0x31: {  	[smem:$0x3FB2] =	sst s10  }
0x32: {  	s10 =	sld [smem:$0x3FB0];
	_ =	sdelay $0x3  }
0x33: {  	p0 =	seq.s32 s10, $0x1;
	s10 =	sld [smem:$0x3FB2];
	_ =	sdelay $0x3  }
0x34: {  	[smem:$0x3FB2] =	sst s10  }
0x35: {  	s10 =	sld [smem:$0x3FB1];
	_ =	sdelay $0x3  }
0x36: {  	p1 =	seq.s32 s10, $0x1;
	s10 =	sld [smem:$0x3FB2];
	_ =	sdelay $0x3  }
0x37: {  	[smem:$0x3FB2] =	sst s10  }
0x38: {  	s10 =	sld [smem:$0x3FB3]  }
0x39: {  	_ = 	snop;
	(pc) =	sbr.ind lr, $3  }
0x3a: {  	_ = 	snop  }
0x3b: {  	_ = 	snop  }
0x3c: {  	p2 =	seq.s32 s10, $0x1;
	s10 =	sld [smem:$0x3FB2]  }
0x3d: {  	_ =	shalt  }
0x3e: {  	_ =	shalt  }
0x3f: {  	_ =	shalt  }
0x40: {  	_ =	shalt  }
0x41: {  	_ =	shalt  }
0x42: {  	_ =	shalt  }
0x43: {  	_ =	shalt  }
0x44: {  	_ =	shalt  }
0x45: {  	_ =	shalt  }
0x46: {  	_ =	shalt  }
0x47: {  	_ =	shalt  }
0x48: {  	_ =	shalt  }
0x49: {  	_ =	shalt  }
0x4a: {  	_ =	shalt  }
0x4b: {  	_ =	shalt  }
0x4c: {  	_ =	shalt  }
0x4d: {  	_ =	shalt  }
0x4e: {  	_ =	shalt  }
0x4f: {  	_ =	shalt  }
0x50: {  	_ =	shalt  }
0x51: {  	_ =	shalt  }
0x52: {  	_ =	shalt  }
0x53: {  	_ =	shalt  }
0x54: {  	_ =	shalt  }
0x55: {  	_ =	shalt  }
0x56: {  	_ =	shalt  }
0x57: {  	_ =	shalt  }
0x58: {  	_ =	shalt  }
0x59: {  	_ =	shalt  }
0x5a: {  	_ =	shalt  }
0x5b: {  	_ =	shalt  }
0x5c: {  	_ =	shalt  }
0x5d: {  	_ =	shalt  }
0x5e: {  	_ =	shalt  }
0x5f: {  	_ =	shalt  }
0x60: {  	_ =	shalt  }
0x61: {  	_ =	shalt  }
0x62: {  	_ =	shalt  }
0x63: {  	_ =	shalt  }
0x64: {  	_ =	shalt  }
0x65: {  	_ =	shalt  }
0x66: {  	_ =	shalt  }
0x67: {  	_ =	shalt  }
0x68: {  	_ =	shalt  }
0x69: {  	_ =	shalt  }
0x6a: {  	_ =	shalt  }
0x6b: {  	_ =	shalt  }
0x6c: {  	_ =	shalt  }
0x6d: {  	_ =	shalt  }
0x6e: {  	_ =	shalt  }
0x6f: {  	_ =	shalt  }
0x70: {  	_ =	shalt  }
0x71: {  	_ =	shalt  }
0x72: {  	_ =	shalt  }
0x73: {  	_ =	shalt  }
0x74: {  	_ =	shalt  }
0x75: {  	_ =	shalt  }
0x76: {  	_ =	shalt  }
0x77: {  	_ =	shalt  }
0x78: {  	_ =	shalt  }
0x79: {  	_ =	shalt  }
0x7a: {  	_ =	shalt  }
0x7b: {  	_ =	shalt  }
0x7c: {  	_ =	shalt  }
0x7d: {  	_ =	shalt  }
0x7e: {  	_ =	shalt  }
0x7f: {  	_ =	shalt  }
0x80: {  	_ =	shalt  }
0x81: {  	_ =	shalt  }
0x82: {  	_ =	shalt  }
0x83: {  	_ =	shalt  }
0x84: {  	_ =	shalt  }
0x85: {  	_ =	shalt  }
0x86: {  	_ =	shalt  }
0x87: {  	_ =	shalt  }
.Lfunc_end0:
.L_simem_size_0:
called_computation_lowered:
.L_overlay_start_0:
0x88: {  	s2 =	sld [smem:$0x3FD9]  }
0x89: {  	s3 =	sld [smem:$0x3FFE];
	_ =	sdelay $0x1  }
0x8a: {  	s1 =	srdreg.scid  }
0x8b: {  	s0 =	sand.u32 $0x1, s1  }
0x8c: {  	s17 =	sshll.u32 s0, $0xA;
	s2 =	sadd.s32 s3, s2  }
0x8d: {  	s2 =	sadd.s32 s2, s17  }
0x8e: {  	[smem:$0x3FBE] =	sst s2  }
0x8f: {  	_ = 	snop  }
0x90: {  	s2 =	sld [smem:$0x3FC9];
	(tm) =	ssettm $0x1  }
0x91: {  	s18 =	sld [smem:$0x3FFB];
	_ =	sdelay $0x3  }
0x92: {  	_ =	strace s18  }
0x93: {  	s3 =	sld [smem:$0x3FFC];
	_ =	sdelay $0x3  }
0x94: {  	_ =	strace s3  }
0x95: {  	s3 =	sld [smem:$0x3FFD];
	_ =	sdelay $0x3  }
0x96: {  	_ =	strace s3  }
0x97: {  	_ =	strace $0x8FFFFFFF  }
0x98: {  	s19 =	sld [smem:$0x3FDB];
	_ =	sdelay $0x1  }
0x99: {  	s4 =	simm.s32 $_scs_section_size  }
0x9a: {  	s5 =	simm.s32 $_size__tile_overlayer_lowered;
	s6 =	simm.s32 $_tile_overlayer_lowered  }
0x9b: {  	s22 =	simm.s32 $0x1BFF;
	s21 =	sshll.u32 s6, $0x1;
	s3 =	sadd.s32 s4, s19  }
0x9c: {  	s7 =	simm.s32 $0x0;
	s20 =	sshll.u32 s5, $0x1;
	s5 =	sadd.s32 s21, s3  }
0x9d: {  	[timem:s7], [sflag:s22] =	dma.local [hbm:s5], s20  }
0x9e: {  	_ =	swait.ge [sflag:s22], s20  }
0x9f: {  	s4 =	ssub.s32 $0x0, s20;
	[sflag:s22] =	ssyncset.done $0x0  }
0xa0: {  	[sflag:s22] =	ssyncadd.s32 s4;
	_ =	sdelay $0x1  }
0xa1: {  	s23 =	simm.s32 $0x1B8B  }
0xa2: {  	_ =	swait.ge [sflag:s23], $0x1  }
0xa3: {  	[sflag:s23] =	ssyncset.done $0x0  }
0xa4: {  	s25 =	simm.s32 $0x1B8E;
	s24 =	sld [smem:$0x3FFE];
	[sflag:s23] =	ssyncadd.s32 $0xFFFFFFFF  }
0xa5: {  	s26 =	simm.s32 $execute0_lowered;
	[smem:$0x3FD2] =	sst s25  }
0xa6: {  	s5 =	sshll.u32 s26, $0x1;
	_ =	strace $0x80000046;
	[dreg:$0x1] =	wrdreg $0xFFFFFFFF  }
0xa7: {  	s28 =	simm.s32 $_size_execute0_lowered;
	s3 =	sadd.s32 s3, s5;
	[dreg:$0x0] =	wrdreg $0x0  }
0xa8: {  	s5 =	sshll.u32 s28, $0x1;
	[dreg:$0x2] =	wrdreg s3  }
0xa9: {  	[dreg:$0x3] =	wrdreg s5  }
0xaa: {  	[dreg:$0x4] =	wrdreg $0xC0  }
0xab: {  	_ =	task [dreg:s7], $0x5FFFF  }
0xac: {  	[dreg:$0x1] =	wrdreg $0xFFFFFFFF  }
0xad: {  	[dreg:$0x0] =	wrdreg $0x60  }
0xae: {  	[dreg:$0x2] =	wrdreg s2  }
0xaf: {  	[dreg:$0x3] =	wrdreg s24  }
0xb0: {  	[dreg:$0x4] =	wrdreg $0x90000  }
0xb1: {  	[dreg:$0x5] =	wrdreg $0x9  }
0xb2: {  	_ =	task.clear_ibuf [dreg:s7], $0x6FFFF;
	_ =	strace $0x90000046  }
0xb3: {  	s29 =	simm.s32 $0x9;
	_ =	strace $0x80000048  }
0xb4: {  	_ =	swait.ge [sflag:s29], $0x1  }
0xb5: {  	[sflag:s29] =	ssyncadd.s32 $0xFFFFFFFF  }
0xb6: {  	_ =	strace $0x90000048  }
0xb7: {  	_ =	sfence  }
0xb8: {  	s30 =	sld [smem:$0x0];
	_ =	sdelay $0x2  }
0xb9: {  	s31 =	sshll.u32 s1, $0xD;
	s1 =	sshrl.u32 s1, $0x2  }
0xba: {  	s3 =	sand.u32 $0x4000, s31;
	s1 =	sadd.s32 s1, s30  }
0xbb: {  	s0 =	sor.u32 s3, s0;
	s1 =	sshll.u32 s1, $0x11  }
0xbc: {  	s0 =	sor.u32 s1, s0  }
0xbd: {  	s0 =	sadd.s32 $0x8F2B, s0  }
0xbe: {  	[sflag:s0] =	ssyncadd.remote.s32 $0x1  }
0xbf: {  	_ =	sfence.sel $0xFFFF  }
0xc0: {  	[dreg:$0x0] =	wrdreg $0xFFFFFFFF;
	(pc) =	sbr.abs _section_cstart, $3  }
0xc1: {  	[dreg:$0x1] =	wrdreg $0xFFFFFFFF  }
0xc2: {  	_ =	task.clear_ibuf [dreg:s7], $0x2FFFF;
	_ =	strace $0x9FFFFFFF  }
0xc3: {  	(tm) =	ssettm $0x7FFFFFFF  }
tec
execute0_lowered:
.L_overlay_start_1:
0x0: {  	(tag) =	ssettag $0x1  }
0x1: {  	s1 =	rddreg [dreg:$0x0]  }
0x2: {  	s6 =	rddreg [dreg:$0x1]  }
0x3: {  	s0 =	srdreg.scid;
	s3 =	rddreg [dreg:$0x2]  }
0x4: {  	s4 =	simm.s32 $0x0;
	s19 =	simm.s32 $0x1;
	s20 =	simm.s32 $0x2800  }
0x5: {  	s21 =	simm.s32 $0x5000;
	s22 =	simm.s32 $0x7D;
	s5 =	sand.u32 $0x1, s0  }
0x6: {  	s25 =	simm.s32 $0x0;
	s0 =	stileid.u32;
	s8 =	smul.u32 $0x140000, s5  }
0x7: {  	[smem:$0x7FF] =	sst s4;
	s2 =	sshll.u32 s5, $0x4;
	s9 =	smul.u32 $0x14000, s0  }
0x8: {  	s10 =	smul.u32 $0x50000, s0;
	s5 =	ssub.s32 $0x2, s5;
	s23 =	sshll.u32 s0, $0x6  }
0x9: {  	s2 =	sor.u32 s0, s2;
	s31 =	sshrl.u32 s5, $0x1;
	s23 =	sor.u32 $0x1C01, s23  }
0xa: {  	s7 =	smul.u32 $0x500, s2;
	s2 =	rddreg [dreg:$0x3];
	_ =	strace $0x80000047  }
0xb: {  	s8 =	sadd.s32 s9, s8;
	s10 =	sshrl.u32 s10, $0x2;
	s18 =	ssub.s32 s5, s31  }
0xc: {  	s8 =	sshrl.u32 s8, $0x3;
	s5 =	sadd.s32 s10, s3;
	s18 =	smax.u32 s18, $0x1  }
0xd: {  	s7 =	sadd.s32 s7, s6;
	s17 =	sadd.s32 s8, s6;
	s8 =	sadd.s32 $0x2000, s5  }
0xe: {  	s9 =	sadd.s32 $0x4000, s5;
	s10 =	sadd.s32 $0x6000, s5;
	s11 =	sadd.s32 $0x8000, s5  }
0xf: {  	s12 =	sadd.s32 $0xA000, s5;
	s13 =	sadd.s32 $0xC000, s5;
	s14 =	sadd.s32 $0xE000, s5  }
0x10: {  	s15 =	sadd.s32 $0x10000, s5;
	s16 =	sadd.s32 $0x12000, s5;
	s24 =	sshrl.u32 s5, $0x3  }
0x11: {  	v0 =	vimm.f32 $0.0e+00;
	s6 =	sadd.s32 $0xAC00, s7;
	s7 =	sadd.s32 $0xC00, s7;
	s17 =	sadd.s32 $0x14C00, s17  }
.LBB2_1:
0x12: {  	[tilespmem:s4], [sflag:$0x1] =	stream.linear.gather [hbm4b:s6+s4], $0x2800, $0x38;
	[tilespmem:$0x1D000] =	vst v63  }
0x13: {  	_ =	swait.ge [sflag:s19], $0x2800  }
0x14: {  	[sflag:s19] =	ssyncset.done $0x0  }
0x15: {  	[sflag:s19] =	ssyncadd.s32 $0xFFFFD800  }
0x16: {  	[tilespmem:s20], [sflag:$0x1] =	stream.linear.gather [hbm4b:s7+s4], $0x2800, $0x38;
	[tilespmem:$0x1D000] =	vst v63  }
0x17: {  	_ =	swait.ge [sflag:s19], $0x2800  }
0x18: {  	[sflag:s19] =	ssyncset.done $0x0  }
0x19: {  	s26 =	simm.s32 $0x0;
	s28 =	simm.s32 $0x200;
	[sflag:s19] =	ssyncadd.s32 $0xFFFFD800  }
.LBB2_2:
0x1a: {  	p0 =	sne.s32 s28, $0x7E00;
	[tilespmem:s26+$0x5070] =	vst v0  }
0x1b: {  	[tilespmem:s26+$0x5000] =	vst v0  }
0x1c: {  	[tilespmem:s26+$0x5010] =	vst v0  }
.Ltmp0:
0x1d: {  	[tilespmem:s26+$0x5020] =	vst v0;
	(pc) =	sbr.rel @p0 .LBB2_2-.Ltmp0, $4  }
0x1e: {  	[tilespmem:s26+$0x5030] =	vst v0  }
0x1f: {  	[tilespmem:s26+$0x5040] =	vst v0  }
0x20: {  	[tilespmem:s26+$0x5050] =	vst v0  }
0x21: {  	[tilespmem:s26+$0x5060] =	vst v0;
	s26 =	sshra.s32 s28, $0x2;
	s28 =	sadd.s32 $0x200, s28  }
0x22: {  	[tilespmem:s26+$0x5070] =	vst v0  }
0x23: {  	[tilespmem:s26+$0x5000] =	vst v0  }
0x24: {  	[tilespmem:s26+$0x5010] =	vst v0  }
0x25: {  	[tilespmem:s26+$0x5020] =	vst v0  }
0x26: {  	[tilespmem:s26+$0x5030] =	vst v0  }
0x27: {  	[tilespmem:s26+$0x5040] =	vst v0  }
0x28: {  	[tilespmem:s26+$0x5050] =	vst v0  }
0x29: {  	[tilespmem:s26+$0x5060] =	vst v0  }
0x2a: {  	[spmem:s5] =	stream.linear.scatter [tilespmem:s21], [sflag:$0x1], $0x2000, $0x38;
	[tilespmem:$0x1D000] =	vst v63  }
0x2b: {  	_ =	swait.ge [sflag:s19], $0x2000  }
0x2c: {  	[sflag:s19] =	ssyncset.done $0x0  }
0x2d: {  	[sflag:s19] =	ssyncadd.s32 $0xFFFFE000  }
0x2e: {  	[spmem:s8] =	stream.linear.scatter [tilespmem:s21], [sflag:$0x1], $0x2000, $0x38;
	[tilespmem:$0x1D000] =	vst v63  }
0x2f: {  	_ =	swait.ge [sflag:s19], $0x2000  }
0x30: {  	[sflag:s19] =	ssyncset.done $0x0  }
0x31: {  	[sflag:s19] =	ssyncadd.s32 $0xFFFFE000  }
0x32: {  	[spmem:s9] =	stream.linear.scatter [tilespmem:s21], [sflag:$0x1], $0x2000, $0x38;
	[tilespmem:$0x1D000] =	vst v63  }
0x33: {  	_ =	swait.ge [sflag:s19], $0x2000  }
0x34: {  	[sflag:s19] =	ssyncset.done $0x0  }
0x35: {  	[sflag:s19] =	ssyncadd.s32 $0xFFFFE000  }
0x36: {  	[spmem:s10] =	stream.linear.scatter [tilespmem:s21], [sflag:$0x1], $0x2000, $0x38;
	[tilespmem:$0x1D000] =	vst v63  }
0x37: {  	_ =	swait.ge [sflag:s19], $0x2000  }
0x38: {  	[sflag:s19] =	ssyncset.done $0x0  }
0x39: {  	[sflag:s19] =	ssyncadd.s32 $0xFFFFE000  }
0x3a: {  	[spmem:s11] =	stream.linear.scatter [tilespmem:s21], [sflag:$0x1], $0x2000, $0x38;
	[tilespmem:$0x1D000] =	vst v63  }
0x3b: {  	_ =	swait.ge [sflag:s19], $0x2000  }
0x3c: {  	[sflag:s19] =	ssyncset.done $0x0  }
0x3d: {  	[sflag:s19] =	ssyncadd.s32 $0xFFFFE000  }
0x3e: {  	[spmem:s12] =	stream.linear.scatter [tilespmem:s21], [sflag:$0x1], $0x2000, $0x38;
	[tilespmem:$0x1D000] =	vst v63  }
0x3f: {  	_ =	swait.ge [sflag:s19], $0x2000  }
0x40: {  	[sflag:s19] =	ssyncset.done $0x0  }
0x41: {  	[sflag:s19] =	ssyncadd.s32 $0xFFFFE000  }
0x42: {  	[spmem:s13] =	stream.linear.scatter [tilespmem:s21], [sflag:$0x1], $0x2000, $0x38;
	[tilespmem:$0x1D000] =	vst v63  }
0x43: {  	_ =	swait.ge [sflag:s19], $0x2000  }
0x44: {  	[sflag:s19] =	ssyncset.done $0x0  }
0x45: {  	[sflag:s19] =	ssyncadd.s32 $0xFFFFE000  }
0x46: {  	[spmem:s14] =	stream.linear.scatter [tilespmem:s21], [sflag:$0x1], $0x2000, $0x38;
	[tilespmem:$0x1D000] =	vst v63  }
0x47: {  	_ =	swait.ge [sflag:s19], $0x2000  }
0x48: {  	[sflag:s19] =	ssyncset.done $0x0  }
0x49: {  	[sflag:s19] =	ssyncadd.s32 $0xFFFFE000  }
0x4a: {  	[spmem:s15] =	stream.linear.scatter [tilespmem:s21], [sflag:$0x1], $0x2000, $0x38;
	[tilespmem:$0x1D000] =	vst v63  }
0x4b: {  	_ =	swait.ge [sflag:s19], $0x2000  }
0x4c: {  	[sflag:s19] =	ssyncset.done $0x0  }
0x4d: {  	[sflag:s19] =	ssyncadd.s32 $0xFFFFE000  }
0x4e: {  	[spmem:s16] =	stream.linear.scatter [tilespmem:s21], [sflag:$0x1], $0x2000, $0x38;
	[tilespmem:$0x1D000] =	vst v63  }
0x4f: {  	_ =	swait.ge [sflag:s19], $0x2000  }
0x50: {  	[sflag:s19] =	ssyncset.done $0x0  }
0x51: {  	[sflag:s19] =	ssyncadd.s32 $0xFFFFE000  }
0x52: {  	s30 =	simm.s32 $0x0;
	[bflag:$0x0] =	sbarrier.arrive $0xFFFF  }
0x53: {  	[tilespmem:s21], [sflag:$0x1] =	stream.indirect.gather [hbm4b:s1+s22], $0x80, s30, s22, $0xb8;
	[tilespmem:$0x1D000] =	vst v63  }
0x54: {  	_ =	swait.ge [sflag:s19], $0x3E80  }
0x55: {  	[sflag:s19] =	ssyncset.done $0x0  }
0x56: {  	s31 =	simm.s32 $0x2800;
	[sflag:s19] =	ssyncadd.s32 $0xFFFFC180  }
0x57: {  	[spmem:s3] =	stream.indirect.scatter.add.f32 [tilespmem:s21], [sflag:$0x1], $0x80, s31, s22, $0xb8;
	[tilespmem:$0x1D000] =	vst v63  }
0x58: {  	_ =	swait.ge [sflag:s19], $0x3E80  }
0x59: {  	s26 =	simm.s32 $0x200;
	s28 =	simm.s32 $0x400;
	[sflag:s19] =	ssyncset.done $0x0  }
.LBB2_4:
0x5a: {  	s29 =	sshra.s32 s26, $0x2  }
0x5b: {  	[sflag:s19] =	ssyncadd.s32 $0xFFFFC180;
	s26 =	smov.u32 s28;
	s30 =	sadd.s32 $0x200, s28  }
0x5c: {  	[tilespmem:s21], [sflag:$0x1] =	stream.indirect.gather [hbm4b:s1+s22], $0x80, s29, s22, $0xb8;
	[tilespmem:$0x1D000] =	vst v63  }
0x5d: {  	p0 =	sne.s32 s28, $0x9E00;
	_ =	swait.ge [sflag:s19], $0x3E80  }
.Ltmp1:
0x5e: {  	[sflag:s19] =	ssyncset.done $0x0;
	(pc) =	sbr.rel @p0 .LBB2_4-.Ltmp1, $4  }
0x5f: {  	s28 =	sadd.s32 $0x2800, s29;
	[sflag:s19] =	ssyncadd.s32 $0xFFFFC180  }
0x60: {  	[spmem:s3] =	stream.indirect.scatter.add.f32 [tilespmem:s21], [sflag:$0x1], $0x80, s28, s22, $0xb8;
	[tilespmem:$0x1D000] =	vst v63  }
0x61: {  	_ =	swait.ge [sflag:s19], $0x3E80  }
0x62: {  	s28 =	smov.u32 s30;
	[sflag:s19] =	ssyncset.done $0x0  }
0x63: {  	s26 =	sshra.s32 s26, $0x2;
	[sflag:s19] =	ssyncadd.s32 $0xFFFFC180  }
0x64: {  	[tilespmem:s21], [sflag:$0x1] =	stream.indirect.gather [hbm4b:s1+s22], $0x80, s26, s22, $0xb8;
	[tilespmem:$0x1D000] =	vst v63  }
0x65: {  	_ =	swait.ge [sflag:s19], $0x3E80  }
0x66: {  	[sflag:s19] =	ssyncset.done $0x0  }
0x67: {  	s26 =	sadd.s32 $0x2800, s26;
	[sflag:s19] =	ssyncadd.s32 $0xFFFFC180  }
0x68: {  	[spmem:s3] =	stream.indirect.scatter.add.f32 [tilespmem:s21], [sflag:$0x1], $0x80, s26, s22, $0xb8;
	[tilespmem:$0x1D000] =	vst v63  }
0x69: {  	_ =	swait.ge [sflag:s19], $0x3E80  }
0x6a: {  	s25 =	sadd.s32 $0x1, s25;
	[sflag:s19] =	ssyncset.done $0x0  }
0x6b: {  	p0 =	sne.s32 s25, s18;
	[sflag:s19] =	ssyncadd.s32 $0xFFFFC180  }
.Ltmp2:
0x6c: {  	[bflag:$0x0] =	sbarrier.arrive $0xFFFF;
	(pc) =	sbr.rel @p0 .LBB2_1-.Ltmp2, $4  }
0x6d: {  	[hbm:s17], [sflag:s23] =	dma.local [spmem:s24], $0x2800  }
0x6e: {  	_ =	swait.ge [sflag:s19], $0x2800  }
0x6f: {  	[sflag:s19] =	ssyncset.done $0x0  }
0x70: {  	[sflag:s19] =	ssyncadd.s32 $0xFFFFD800  }
0x71: {  	_ =	sfence.sel $0x180000  }
0x72: {  	[bflag:$0x0] =	sbarrier.arrive $0xFFFF  }
0x73: {  	p0 =	sne.s32 s0, $0x0;
	_ =	strace $0x90000047  }
0x74: {  	s0 =	sadd.s32 @!p0 $0x100000, s2;
	[bflag:$0x2] =	sbarrier.arrive $0xFFFF  }
0x75: {  	[sflag:s0] =	ssyncadd.tile.s32 @!p0 $0x1;
	_ =	shalt  }
.Lfunc_end2:
_tile_overlayer_lowered:
.L_overlay_start_2:
0x76: {  	(tag) =	ssettag $0x2  }
0x77: {  	s0 =	rddreg [dreg:$0x0];
	s2 =	stileid.u32  }
0x78: {  	s1 =	rddreg [dreg:$0x1];
	p0 =	sne.s32 s2, $0x0  }
0x79: {  	s3 =	rddreg [dreg:$0x2];
	[bflag:$0x3] =	sbarrier.arrive $0xFFFF;
	s2 =	simm.s32 @!p0 $0x1C01  }
0x7a: {  	[timem:s3], [sflag:s2] =	dma.local @!p0 [hbm:s0], s1  }
0x7b: {  	s0 =	simm.s32 @!p0 $0x1  }
0x7c: {  	_ =	swait.ge @!p0 [sflag:s0], s1  }
0x7d: {  	s1 =	ssub.s32 @!p0 $0x0, s1;
	[sflag:s0] =	ssyncset.done @!p0 $0x0  }
0x7e: {  	[sflag:s0] =	ssyncadd.s32 @!p0 s1  }
0x7f: {  	[bflag:$0x3] =	sbarrier.arrive $0xFFFF  }
0x80: {  	_ =	shalt  }

</sc_bundles>
